<compile_context>
chip_gen: v7x
topology: tpu7x:2x2x1
jax: 0.10.2.dev20260603
libtpu: 0.0.44.dev20260713+nightly
codegen_flags: <defaults>
</compile_context>

<pallas_src>
import functools

import jax
import jax.numpy as jnp
from jax import lax
from jax.experimental import pallas as pl
from jax.experimental.pallas import tpu as pltpu
from jax.experimental.pallas import tpu_sc as plsc

N = 10000
H = 128
EPS = 1e-5

NC = 2
NS = 16
NW = NC * NS
CHUNK = 128
TCH = 2560
TCHP = TCH + 128
CH0 = 144
CH1 = (TCH - NS * CH0) // NS
GCH = 16
NBUF = 2
DCH = TCH // NW
NP = 10240
RPT = NP // NS
E_PAD = TCHP * CHUNK

_mesh = plsc.VectorSubcoreMesh(core_axis_name="c", subcore_axis_name="s")


@functools.partial(
    pl.kernel,
    out_type=jax.ShapeDtypeStruct((NC, NP), jnp.float32),
    mesh=_mesh,
    scratch_types=[
        pltpu.VMEM((DCH, CHUNK), jnp.int32),
        pltpu.VMEM((CHUNK,), jnp.int32),
        pltpu.VMEM((CHUNK,), jnp.float32),
        pltpu.VMEM((RPT,), jnp.float32),
        pltpu.VMEM_SHARED((NP,), jnp.float32),
        pltpu.SemaphoreType.DMA,
    ],
)
def _deg_kernel(dst_hbm, deg_out, idx_all, drain_v, ones_v, stage_v, deg_sh,
                sem):
    c = lax.axis_index("c")
    s = lax.axis_index("s")
    wid = c * NS + s

    def fill_ones(i, carry):
        ones_v[pl.ds(i * 16, 16)] = jnp.ones((16,), jnp.float32)
        return carry

    lax.fori_loop(0, CHUNK // 16, fill_ones, 0)

    def fill_zeros(i, carry):
        stage_v[pl.ds(i * 16, 16)] = jnp.zeros((16,), jnp.float32)
        return carry

    lax.fori_loop(0, RPT // 16, fill_zeros, 0)

    pltpu.sync_copy(dst_hbm.at[pl.ds(pl.multiple_of(wid * DCH, 8), DCH)],
                    idx_all)
    r0 = s * RPT
    pltpu.sync_copy(stage_v, deg_sh.at[pl.ds(r0, RPT)])
    plsc.subcore_barrier()

    def fire(j, carry):
        pltpu.async_copy(ones_v, deg_sh.at[idx_all.at[j]], sem, add=True)
        return carry

    lax.fori_loop(0, DCH, fire, 0)

    def drain(j, carry):
        pltpu.make_async_copy(dst_hbm.at[0], drain_v, sem).wait()
        return carry

    lax.fori_loop(0, DCH, drain, 0)
    plsc.subcore_barrier()
    pltpu.sync_copy(deg_sh.at[pl.ds(r0, RPT)], deg_out.at[c, pl.ds(r0, RPT)])


@functools.partial(
    pl.kernel,
    out_type=jax.ShapeDtypeStruct((NC, NP, H), jnp.float32),
    mesh=_mesh,
    scratch_types=[
        pltpu.VMEM((GCH, CHUNK), jnp.int32),
        pltpu.VMEM((GCH, CHUNK), jnp.int32),
        pltpu.VMEM((CHUNK, H), jnp.float32),
        pltpu.VMEM((CHUNK, H), jnp.float32),
        pltpu.SemaphoreType.DMA,
        pltpu.SemaphoreType.DMA,
        pltpu.VMEM_SHARED((NP, H), jnp.float32),
    ],
)
def _scatter_kernel(g_hbm, src_hbm, dst_hbm, acc_out,
                    sidx_g, didx_g, rows0, rows1, gsem0, gsem1, acc_sh):
    c = lax.axis_index("c")
    s = lax.axis_index("s")
    rows = [rows0, rows1]
    gsem = [gsem0, gsem1]

    def fill_zeros(i, carry):
        rows[0][i >> 3, pl.ds((i & 7) * 16, 16)] = jnp.zeros((16,),
                                                             jnp.float32)
        return carry

    lax.fori_loop(0, CHUNK * (H // 16), fill_zeros, 0)

    r0 = s * RPT
    for t in range(RPT // CHUNK):
        pltpu.sync_copy(rows[0], acc_sh.at[pl.ds(r0 + t * CHUNK, CHUNK)])
    plsc.subcore_barrier()

    base_ch = lax.select(c == 0, s * CH0, NS * CH0 + s * CH1)
    ngrp = lax.select(c == 0, (CH0 + GCH - 1) // GCH, (CH1 + GCH - 1) // GCH)
    n_local = lax.select(c == 0, GCH, CH1)

    def group_body(gi, carry):
        off = pl.multiple_of(base_ch + gi * GCH, 8)
        pltpu.sync_copy(src_hbm.at[pl.ds(off, GCH)], sidx_g)
        pltpu.sync_copy(dst_hbm.at[pl.ds(off, GCH)], didx_g)
        for b in range(NBUF):
            pltpu.async_copy(g_hbm.at[sidx_g.at[b]], rows[b], gsem[b])

        def inner(i, carry2):
            for b in range(NBUF):
                lch = i * NBUF + b
                pltpu.make_async_copy(g_hbm.at[sidx_g.at[lch]], rows[b],
                                      gsem[b]).wait()
                pltpu.sync_copy(rows[b], acc_sh.at[didx_g.at[lch]], add=True)

                @pl.when(lch + NBUF < n_local)
                def _():
                    pltpu.async_copy(g_hbm.at[sidx_g.at[lch + NBUF]],
                                     rows[b], gsem[b])

            return carry2

        lax.fori_loop(0, n_local // NBUF, inner, 0)
        return carry

    lax.fori_loop(0, ngrp, group_body, 0)
    plsc.subcore_barrier()
    pltpu.sync_copy(acc_sh.at[pl.ds(r0, RPT)],
                    acc_out.at[c, pl.ds(r0, RPT)])


def _tc1_body(x_ref, gam_ref, bet_ref, w_ref, deg_ref, g_ref, dinv_ref):
    xr = x_ref[...]
    mean = jnp.mean(xr, axis=0, keepdims=True)
    xc = xr - mean
    var = jnp.mean(xc * xc, axis=0, keepdims=True)
    xn = xc * lax.rsqrt(var + EPS) * gam_ref[...] + bet_ref[...]
    h = jnp.dot(xn, w_ref[...], preferred_element_type=jnp.float32)
    dinv = lax.rsqrt(deg_ref[0] + deg_ref[1] + 1.0)
    dinv_ref[...] = dinv
    g_ref[0:N, :] = h * dinv[0:N]
    g_ref[N:NP, :] = jnp.zeros((NP - N, H), jnp.float32)


_tc1 = pl.pallas_call(
    _tc1_body,
    out_shape=[
        jax.ShapeDtypeStruct((NP, H), jnp.float32),
        jax.ShapeDtypeStruct((NP, 1), jnp.float32),
    ],
)


def _tc2_body(x_ref, acc_ref, g_ref, dinv_ref, b_ref, o_ref):
    a = acc_ref[0, 0:N, :] + acc_ref[1, 0:N, :] + g_ref[0:N, :]
    conv = a * dinv_ref[0:N] + b_ref[...]
    o_ref[...] = x_ref[...] + jnp.maximum(conv, 0.0)


_tc2 = pl.pallas_call(
    _tc2_body,
    out_shape=jax.ShapeDtypeStruct((N, H), jnp.float32),
)


def kernel(x, edge_index, bn_gamma, bn_beta, W, b):
    src = edge_index[0].astype(jnp.int32)
    dst = edge_index[1].astype(jnp.int32)
    pad = E_PAD - src.shape[0]
    src = jnp.concatenate([src, jnp.full((pad,), N, jnp.int32)])
    dst = jnp.concatenate([dst, jnp.full((pad,), N, jnp.int32)])
    src = src.reshape(TCHP, CHUNK)
    dst = dst.reshape(TCHP, CHUNK)

    deg = _deg_kernel(dst)
    g, dinv = _tc1(x, bn_gamma.reshape(1, H), bn_beta.reshape(1, H), W,
                   deg.reshape(NC, NP, 1))
    acc = _scatter_kernel(g, src, dst)
    return _tc2(x, acc, g, dinv, b.reshape(1, H))

# --- scband reference (transcript-rebuilt; emitter-appended) ---
"""Pipeline reference for scband-gnn-layer-66752381714632 (READ-ONLY COPY).

The authoritative reference and input builder live on the scoring server;
editing this copy changes nothing except your own understanding.
"""

import jax, jax.numpy as jnp
import numpy as np

N = 10000
E = 320000
H = 128
EPS = 1e-5


def setup_inputs(seed: int = 0) -> dict:
    key = jax.random.key(seed)
    k_x, k_e, k_w, k_b, k_g, k_bt = jax.random.split(key, 6)
    x = jax.random.normal(k_x, (N, H), dtype=jnp.float32)
    edge_index = jax.random.randint(k_e, (2, E), 0, N, dtype=jnp.int64)
    # BatchNorm1d affine params
    bn_gamma = jnp.ones((H,), dtype=jnp.float32)
    bn_beta = jnp.zeros((H,), dtype=jnp.float32)
    # GCNConv linear weight + bias (PyG GCNConv: lin(x) then normalized aggregation + bias)
    W = jax.random.normal(k_w, (H, H), dtype=jnp.float32) * (1.0 / np.sqrt(H))
    b = jnp.zeros((H,), dtype=jnp.float32)
    return {"x": x, "edge_index": edge_index, "bn_gamma": bn_gamma,
            "bn_beta": bn_beta, "W": W, "b": b}


def _batch_norm(x, gamma, beta):
    # training-mode BatchNorm1d: batch statistics, biased variance
    mean = jnp.mean(x, axis=0)
    var = jnp.mean((x - mean) ** 2, axis=0)
    x_hat = (x - mean) * jax.lax.rsqrt(var + EPS)
    return x_hat * gamma + beta


def _gcn_conv(x, edge_index, W, b):
    num_nodes = x.shape[0]
    loop = jnp.arange(num_nodes, dtype=edge_index.dtype)
    src = jnp.concatenate([edge_index[0], loop])
    dst = jnp.concatenate([edge_index[1], loop])
    # symmetric normalization with self-loops (PyG default)
    deg = jnp.zeros((num_nodes,), dtype=x.dtype).at[dst].add(1.0)
    dinv = jnp.where(deg > 0, jax.lax.rsqrt(jnp.maximum(deg, 1e-12)), 0.0)
    norm = dinv[src] * dinv[dst]
    h = x @ W
    msg = jnp.take(h, src, axis=0) * norm[:, None]
    out = jnp.zeros((num_nodes, h.shape[1]), dtype=x.dtype).at[dst].add(msg)
    return out + b


def reference(x, edge_index, bn_gamma, bn_beta, W, b):
    x_res = x
    h = _batch_norm(x, bn_gamma, bn_beta)
    h = _gcn_conv(h, edge_index, W, b)
    h = jax.nn.relu(h)
    # dropout p=0.0 -> identity
    return x_res + h

if __name__ == "__main__":
    import jax
    _d = setup_inputs()
    print(jax.jit(kernel)(*tuple(_d.values())))

</pallas_src>

<mosaic_0001>
#map = affine_map<(d0, d1) -> (0, 0)>
module attributes {stable_mosaic.version = 14 : i64} {
  func.func @_deg_kernel(%arg0: i32, %arg1: i32, %arg2: memref<2688x128xi32, #tpu.memory_space<hbm>>, %arg3: memref<2x10240xf32, #tpu.memory_space<hbm>>, %arg4: memref<80x128xi32, #tpu.memory_space<vmem>>, %arg5: memref<128xi32, #tpu.memory_space<vmem>>, %arg6: memref<128xf32, #tpu.memory_space<vmem>>, %arg7: memref<640xf32, #tpu.memory_space<vmem>>, %arg8: memref<10240xf32, #tpu.memory_space<vmem_shared>>, %arg9: memref<!tpu.dma_semaphore, #tpu.memory_space<semaphore_mem>>) attributes {dimension_semantics = [#tpu.dimension_semantics<core_parallel>, #tpu.dimension_semantics<subcore_parallel>], iteration_bounds = array<i64: 2, 16>, scalar_prefetch = 0 : i64, scratch_operands = 6 : i64, tpu.core_type = #tpu.core_type<sc_vector_subcore>, window_params = [{transform_indices = #map}, {transform_indices = #map}]} {
    %mul3A = arith.constant 16 : i32
    %mul3A_0 = arith.muli %arg0, %mul3A : i32
    %add3A = arith.addi %mul3A_0, %arg1 : i32
    %scan3A = arith.constant 0 : i32
    %scan3A_1 = arith.constant 0 : i32
    %scan3A_2 = arith.constant 8 : i32
    %scan3A_3 = arith.addi %scan3A_1, %scan3A_2 : i32
    %scan3A_4 = arith.constant 1 : i32
    scf.for %scan3A_29 = %scan3A_1 to %scan3A_3 step %scan3A_4  : i32 {
      %broadcast_in_dim3A = arith.constant 1.000000e+00 : f32
      %broadcast_in_dim3A_30 = vector.broadcast %broadcast_in_dim3A : f32 to vector<16xf32>
      %mul3A_31 = arith.constant 16 : i32
      %mul3A_32 = arith.muli %scan3A_29, %mul3A_31 : i32
      %swap3A = arith.index_cast %mul3A_32 : i32 to index
      %swap3A_33 = tpu.vector_load %arg6[%swap3A] {strides = array<i32>} : memref<128xf32, #tpu.memory_space<vmem>>, vector<16xf32>,
      %swap3A_34 = vector.shape_cast %swap3A_33 : vector<16xf32> to vector<16xf32>
      %swap3A_35 = vector.shape_cast %broadcast_in_dim3A_30 : vector<16xf32> to vector<16xf32>
      tpu.vector_store %arg6[%swap3A], %swap3A_35 {strides = array<i32>} : memref<128xf32, #tpu.memory_space<vmem>>, vector<16xf32>,
    }
    %scan3A_5 = arith.constant 8 : i32
    %scan3A_6 = arith.constant 0 : i32
    %scan3A_7 = arith.constant 0 : i32
    %scan3A_8 = arith.constant 40 : i32
    %scan3A_9 = arith.addi %scan3A_7, %scan3A_8 : i32
    %scan3A_10 = arith.constant 1 : i32
    scf.for %scan3A_29 = %scan3A_7 to %scan3A_9 step %scan3A_10  : i32 {
      %broadcast_in_dim3A = arith.constant 0.000000e+00 : f32
      %broadcast_in_dim3A_30 = vector.broadcast %broadcast_in_dim3A : f32 to vector<16xf32>
      %mul3A_31 = arith.constant 16 : i32
      %mul3A_32 = arith.muli %scan3A_29, %mul3A_31 : i32
      %swap3A = arith.index_cast %mul3A_32 : i32 to index
      %swap3A_33 = tpu.vector_load %arg7[%swap3A] {strides = array<i32>} : memref<640xf32, #tpu.memory_space<vmem>>, vector<16xf32>,
      %swap3A_34 = vector.shape_cast %swap3A_33 : vector<16xf32> to vector<16xf32>
      %swap3A_35 = vector.shape_cast %broadcast_in_dim3A_30 : vector<16xf32> to vector<16xf32>
      tpu.vector_store %arg7[%swap3A], %swap3A_35 {strides = array<i32>} : memref<640xf32, #tpu.memory_space<vmem>>, vector<16xf32>,
    }
    %scan3A_11 = arith.constant 40 : i32
    %mul3A_12 = arith.constant 80 : i32
    %mul3A_13 = arith.muli %add3A, %mul3A_12 : i32
    %multiple_of3A = tpu.assume_multiple %mul3A_13, 8 : i32
    "tpu.region"() ({
      %run_scoped3A = tpu.sem_alloc : memref<!tpu.dma_semaphore, #tpu.memory_space<semaphore_mem>>
      %dma_start3A = arith.constant 0 : i32
      %dma_start3A_29 = tpu.memref_slice %arg2[%multiple_of3A, %dma_start3A] : memref<2688x128xi32, #tpu.memory_space<hbm>> -> memref<80x128xi32, #tpu.memory_space<hbm>>
      %dma_start3A_30 = arith.constant 0 : i32
      %dma_start3A_31 = tpu.memref_slice %arg2[%multiple_of3A, %dma_start3A_30] : memref<2688x128xi32, #tpu.memory_space<hbm>> -> memref<80x128xi32, #tpu.memory_space<hbm>>
      tpu.enqueue_dma source(%dma_start3A_31 : memref<80x128xi32, #tpu.memory_space<hbm>>) target(%arg4 : memref<80x128xi32, #tpu.memory_space<vmem>>) target_semaphore(%run_scoped3A : memref<!tpu.dma_semaphore, #tpu.memory_space<semaphore_mem>>)
      %dma_wait3A = arith.constant 0 : i32
      %dma_wait3A_32 = tpu.memref_slice %arg2[%multiple_of3A, %dma_wait3A] : memref<2688x128xi32, #tpu.memory_space<hbm>> -> memref<80x128xi32, #tpu.memory_space<hbm>>
      %dma_wait3A_33 = arith.constant 0 : i32
      %dma_wait3A_34 = tpu.memref_slice %arg2[%multiple_of3A, %dma_wait3A_33] : memref<2688x128xi32, #tpu.memory_space<hbm>> -> memref<80x128xi32, #tpu.memory_space<hbm>>
      tpu.wait_dma2 semaphore(%run_scoped3A : memref<!tpu.dma_semaphore, #tpu.memory_space<semaphore_mem>>) src(%dma_wait3A_34 : memref<80x128xi32, #tpu.memory_space<hbm>>) dst(%arg4 : memref<80x128xi32, #tpu.memory_space<vmem>>)
      tpu.yield
    }) : () -> ()
    %mul3A_14 = arith.constant 640 : i32
    %mul3A_15 = arith.muli %arg1, %mul3A_14 : i32
    "tpu.region"() ({
      %run_scoped3A = tpu.sem_alloc : memref<!tpu.dma_semaphore, #tpu.memory_space<semaphore_mem>>
      %dma_start3A = tpu.memref_slice %arg8[%mul3A_15] : memref<10240xf32, #tpu.memory_space<vmem_shared>> -> memref<640xf32, #tpu.memory_space<vmem_shared>>
      %dma_start3A_29 = tpu.memref_slice %arg8[%mul3A_15] : memref<10240xf32, #tpu.memory_space<vmem_shared>> -> memref<640xf32, #tpu.memory_space<vmem_shared>>
      tpu.enqueue_dma source(%arg7 : memref<640xf32, #tpu.memory_space<vmem>>) target(%dma_start3A_29 : memref<640xf32, #tpu.memory_space<vmem_shared>>) target_semaphore(%run_scoped3A : memref<!tpu.dma_semaphore, #tpu.memory_space<semaphore_mem>>)
      %dma_wait3A = tpu.memref_slice %arg8[%mul3A_15] : memref<10240xf32, #tpu.memory_space<vmem_shared>> -> memref<640xf32, #tpu.memory_space<vmem_shared>>
      %dma_wait3A_30 = tpu.memref_slice %arg8[%mul3A_15] : memref<10240xf32, #tpu.memory_space<vmem_shared>> -> memref<640xf32, #tpu.memory_space<vmem_shared>>
      tpu.wait_dma2 semaphore(%run_scoped3A : memref<!tpu.dma_semaphore, #tpu.memory_space<semaphore_mem>>) src(%arg7 : memref<640xf32, #tpu.memory_space<vmem>>) dst(%dma_wait3A_30 : memref<640xf32, #tpu.memory_space<vmem_shared>>)
      tpu.yield
    }) : () -> ()
    %barrier3A = arith.constant 0 : index
    tpu.barrier barrier_id(%barrier3A)
    %scan3A_16 = arith.constant 0 : i32
    %scan3A_17 = arith.constant 0 : i32
    %scan3A_18 = arith.constant 80 : i32
    %scan3A_19 = arith.addi %scan3A_17, %scan3A_18 : i32
    %scan3A_20 = arith.constant 1 : i32
    scf.for %scan3A_29 = %scan3A_17 to %scan3A_19 step %scan3A_20  : i32 {
      %dma_start3A = arith.constant 0 : i32
      %dma_start3A_30 = tpu.memref_slice %arg4[%scan3A_29, %dma_start3A] : memref<80x128xi32, #tpu.memory_space<vmem>> -> memref<1x128xi32, #tpu.memory_space<vmem>>
      %dma_start3A_31 = tpu.memref_squeeze %dma_start3A_30 : memref<1x128xi32, #tpu.memory_space<vmem>> -> memref<128xi32, #tpu.memory_space<vmem>>
      %dma_start3A_32 = arith.constant 0 : i32
      %dma_start3A_33 = tpu.memref_slice %arg8[%dma_start3A_32] : memref<10240xf32, #tpu.memory_space<vmem_shared>> -> memref<10240xf32, #tpu.memory_space<vmem_shared>>
      tpu.enqueue_indirect_dma source(%arg6 : memref<128xf32, #tpu.memory_space<vmem>>) target(%dma_start3A_33 : memref<10240xf32, #tpu.memory_space<vmem_shared>>) offsets(%dma_start3A_31 : memref<128xi32, #tpu.memory_space<vmem>>) semaphore(%arg9 : memref<!tpu.dma_semaphore, #tpu.memory_space<semaphore_mem>>) {add = true}
    }
    %scan3A_21 = arith.constant 80 : i32
    %scan3A_22 = arith.constant 0 : i32
    %scan3A_23 = arith.constant 0 : i32
    %scan3A_24 = arith.constant 80 : i32
    %scan3A_25 = arith.addi %scan3A_23, %scan3A_24 : i32
    %scan3A_26 = arith.constant 1 : i32
    scf.for %scan3A_29 = %scan3A_23 to %scan3A_25 step %scan3A_26  : i32 {
      %dma_wait3A = arith.constant 0 : i32
      %dma_wait3A_30 = arith.constant 0 : i32
      %dma_wait3A_31 = tpu.memref_slice %arg2[%dma_wait3A, %dma_wait3A_30] : memref<2688x128xi32, #tpu.memory_space<hbm>> -> memref<1x128xi32, #tpu.memory_space<hbm>>
      %dma_wait3A_32 = tpu.memref_squeeze %dma_wait3A_31 : memref<1x128xi32, #tpu.memory_space<hbm>> -> memref<128xi32, #tpu.memory_space<hbm>>
      %dma_wait3A_33 = arith.constant 0 : i32
      %dma_wait3A_34 = tpu.memref_slice %arg2[%dma_wait3A, %dma_wait3A_33] : memref<2688x128xi32, #tpu.memory_space<hbm>> -> memref<1x128xi32, #tpu.memory_space<hbm>>
      %dma_wait3A_35 = tpu.memref_squeeze %dma_wait3A_34 : memref<1x128xi32, #tpu.memory_space<hbm>> -> memref<128xi32, #tpu.memory_space<hbm>>
      tpu.wait_dma2 semaphore(%arg9 : memref<!tpu.dma_semaphore, #tpu.memory_space<semaphore_mem>>) src(%dma_wait3A_35 : memref<128xi32, #tpu.memory_space<hbm>>) dst(%arg5 : memref<128xi32, #tpu.memory_space<vmem>>)
    }
    %scan3A_27 = arith.constant 80 : i32
    %barrier3A_28 = arith.constant 0 : index
    tpu.barrier barrier_id(%barrier3A_28)
    "tpu.region"() ({
      %run_scoped3A = tpu.sem_alloc : memref<!tpu.dma_semaphore, #tpu.memory_space<semaphore_mem>>
      %dma_start3A = tpu.memref_slice %arg3[%arg0, %mul3A_15] : memref<2x10240xf32, #tpu.memory_space<hbm>> -> memref<1x640xf32, #tpu.memory_space<hbm>>
      %dma_start3A_29 = tpu.memref_squeeze %dma_start3A : memref<1x640xf32, #tpu.memory_space<hbm>> -> memref<640xf32, #tpu.memory_space<hbm>>
      %dma_start3A_30 = tpu.memref_slice %arg8[%mul3A_15] : memref<10240xf32, #tpu.memory_space<vmem_shared>> -> memref<640xf32, #tpu.memory_space<vmem_shared>>
      tpu.enqueue_dma source(%dma_start3A_30 : memref<640xf32, #tpu.memory_space<vmem_shared>>) target(%dma_start3A_29 : memref<640xf32, #tpu.memory_space<hbm>>) target_semaphore(%run_scoped3A : memref<!tpu.dma_semaphore, #tpu.memory_space<semaphore_mem>>)
      %dma_wait3A = tpu.memref_slice %arg3[%arg0, %mul3A_15] : memref<2x10240xf32, #tpu.memory_space<hbm>> -> memref<1x640xf32, #tpu.memory_space<hbm>>
      %dma_wait3A_31 = tpu.memref_squeeze %dma_wait3A : memref<1x640xf32, #tpu.memory_space<hbm>> -> memref<640xf32, #tpu.memory_space<hbm>>
      %dma_wait3A_32 = tpu.memref_slice %arg8[%mul3A_15] : memref<10240xf32, #tpu.memory_space<vmem_shared>> -> memref<640xf32, #tpu.memory_space<vmem_shared>>
      tpu.wait_dma2 semaphore(%run_scoped3A : memref<!tpu.dma_semaphore, #tpu.memory_space<semaphore_mem>>) src(%dma_wait3A_32 : memref<640xf32, #tpu.memory_space<vmem_shared>>) dst(%dma_wait3A_31 : memref<640xf32, #tpu.memory_space<hbm>>)
      tpu.yield
    }) : () -> ()
    return
  }
}

#map = affine_map<(d0, d1) -> (0, 0)>
#map1 = affine_map<(d0, d1) -> (0, 0, 0)>
module attributes {stable_mosaic.version = 14 : i64} {
  func.func @_scatter_kernel(%arg0: i32, %arg1: i32, %arg2: memref<10240x128xf32, #tpu.memory_space<hbm>>, %arg3: memref<2688x128xi32, #tpu.memory_space<hbm>>, %arg4: memref<2688x128xi32, #tpu.memory_space<hbm>>, %arg5: memref<2x10240x128xf32, #tpu.memory_space<hbm>>, %arg6: memref<16x128xi32, #tpu.memory_space<vmem>>, %arg7: memref<16x128xi32, #tpu.memory_space<vmem>>, %arg8: memref<128x128xf32, #tpu.memory_space<vmem>>, %arg9: memref<128x128xf32, #tpu.memory_space<vmem>>, %arg10: memref<!tpu.dma_semaphore, #tpu.memory_space<semaphore_mem>>, %arg11: memref<!tpu.dma_semaphore, #tpu.memory_space<semaphore_mem>>, %arg12: memref<10240x128xf32, #tpu.memory_space<vmem_shared>>) attributes {dimension_semantics = [#tpu.dimension_semantics<core_parallel>, #tpu.dimension_semantics<subcore_parallel>], iteration_bounds = array<i64: 2, 16>, scalar_prefetch = 0 : i64, scratch_operands = 7 : i64, tpu.core_type = #tpu.core_type<sc_vector_subcore>, window_params = [{transform_indices = #map}, {transform_indices = #map}, {transform_indices = #map}, {transform_indices = #map1}]} {
    %scan3A = arith.constant 0 : i32
    %scan3A_0 = arith.constant 0 : i32
    %scan3A_1 = arith.constant 1024 : i32
    %scan3A_2 = arith.addi %scan3A_0, %scan3A_1 : i32
    %scan3A_3 = arith.constant 1 : i32
    scf.for %scan3A_42 = %scan3A_0 to %scan3A_2 step %scan3A_3  : i32 {
      %broadcast_in_dim3A = arith.constant 0.000000e+00 : f32
      %broadcast_in_dim3A_43 = vector.broadcast %broadcast_in_dim3A : f32 to vector<16xf32>
      %shift_right_arithmetic3A = arith.constant 3 : i32
      %shift_right_arithmetic3A_44 = arith.shrsi %scan3A_42, %shift_right_arithmetic3A : i32
      %and3A = arith.constant 7 : i32
      %and3A_45 = arith.andi %scan3A_42, %and3A : i32
      %mul3A_46 = arith.constant 16 : i32
      %mul3A_47 = arith.muli %and3A_45, %mul3A_46 : i32
      %swap3A = arith.index_cast %shift_right_arithmetic3A_44 : i32 to index
      %swap3A_48 = arith.index_cast %mul3A_47 : i32 to index
      %swap3A_49 = tpu.vector_load %arg8[%swap3A, %swap3A_48] {strides = array<i32>} : memref<128x128xf32, #tpu.memory_space<vmem>>, vector<1x16xf32>,
      %swap3A_50 = vector.shape_cast %swap3A_49 : vector<1x16xf32> to vector<16xf32>
      %swap3A_51 = vector.shape_cast %broadcast_in_dim3A_43 : vector<16xf32> to vector<1x16xf32>
      tpu.vector_store %arg8[%swap3A, %swap3A_48], %swap3A_51 {strides = array<i32>} : memref<128x128xf32, #tpu.memory_space<vmem>>, vector<1x16xf32>,
    }
    %scan3A_4 = arith.constant 1024 : i32
    %mul3A = arith.constant 640 : i32
    %mul3A_5 = arith.muli %arg1, %mul3A : i32
    %add3A = arith.constant 0 : i32
    %add3A_6 = arith.addi %mul3A_5, %add3A : i32
    "tpu.region"() ({
      %run_scoped3A = tpu.sem_alloc : memref<!tpu.dma_semaphore, #tpu.memory_space<semaphore_mem>>
      %dma_start3A = arith.constant 0 : i32
      %dma_start3A_42 = tpu.memref_slice %arg12[%add3A_6, %dma_start3A] : memref<10240x128xf32, #tpu.memory_space<vmem_shared>> -> memref<128x128xf32, #tpu.memory_space<vmem_shared>>
      %dma_start3A_43 = arith.constant 0 : i32
      %dma_start3A_44 = tpu.memref_slice %arg12[%add3A_6, %dma_start3A_43] : memref<10240x128xf32, #tpu.memory_space<vmem_shared>> -> memref<128x128xf32, #tpu.memory_space<vmem_shared>>
      tpu.enqueue_dma source(%arg8 : memref<128x128xf32, #tpu.memory_space<vmem>>) target(%dma_start3A_44 : memref<128x128xf32, #tpu.memory_space<vmem_shared>>) target_semaphore(%run_scoped3A : memref<!tpu.dma_semaphore, #tpu.memory_space<semaphore_mem>>)
      %dma_wait3A = arith.constant 0 : i32
      %dma_wait3A_45 = tpu.memref_slice %arg12[%add3A_6, %dma_wait3A] : memref<10240x128xf32, #tpu.memory_space<vmem_shared>> -> memref<128x128xf32, #tpu.memory_space<vmem_shared>>
      %dma_wait3A_46 = arith.constant 0 : i32
      %dma_wait3A_47 = tpu.memref_slice %arg12[%add3A_6, %dma_wait3A_46] : memref<10240x128xf32, #tpu.memory_space<vmem_shared>> -> memref<128x128xf32, #tpu.memory_space<vmem_shared>>
      tpu.wait_dma2 semaphore(%run_scoped3A : memref<!tpu.dma_semaphore, #tpu.memory_space<semaphore_mem>>) src(%arg8 : memref<128x128xf32, #tpu.memory_space<vmem>>) dst(%dma_wait3A_47 : memref<128x128xf32, #tpu.memory_space<vmem_shared>>)
      tpu.yield
    }) : () -> ()
    %add3A_7 = arith.constant 128 : i32
    %add3A_8 = arith.addi %mul3A_5, %add3A_7 : i32
    "tpu.region"() ({
      %run_scoped3A = tpu.sem_alloc : memref<!tpu.dma_semaphore, #tpu.memory_space<semaphore_mem>>
      %dma_start3A = arith.constant 0 : i32
      %dma_start3A_42 = tpu.memref_slice %arg12[%add3A_8, %dma_start3A] : memref<10240x128xf32, #tpu.memory_space<vmem_shared>> -> memref<128x128xf32, #tpu.memory_space<vmem_shared>>
      %dma_start3A_43 = arith.constant 0 : i32
      %dma_start3A_44 = tpu.memref_slice %arg12[%add3A_8, %dma_start3A_43] : memref<10240x128xf32, #tpu.memory_space<vmem_shared>> -> memref<128x128xf32, #tpu.memory_space<vmem_shared>>
      tpu.enqueue_dma source(%arg8 : memref<128x128xf32, #tpu.memory_space<vmem>>) target(%dma_start3A_44 : memref<128x128xf32, #tpu.memory_space<vmem_shared>>) target_semaphore(%run_scoped3A : memref<!tpu.dma_semaphore, #tpu.memory_space<semaphore_mem>>)
      %dma_wait3A = arith.constant 0 : i32
      %dma_wait3A_45 = tpu.memref_slice %arg12[%add3A_8, %dma_wait3A] : memref<10240x128xf32, #tpu.memory_space<vmem_shared>> -> memref<128x128xf32, #tpu.memory_space<vmem_shared>>
      %dma_wait3A_46 = arith.constant 0 : i32
      %dma_wait3A_47 = tpu.memref_slice %arg12[%add3A_8, %dma_wait3A_46] : memref<10240x128xf32, #tpu.memory_space<vmem_shared>> -> memref<128x128xf32, #tpu.memory_space<vmem_shared>>
      tpu.wait_dma2 semaphore(%run_scoped3A : memref<!tpu.dma_semaphore, #tpu.memory_space<semaphore_mem>>) src(%arg8 : memref<128x128xf32, #tpu.memory_space<vmem>>) dst(%dma_wait3A_47 : memref<128x128xf32, #tpu.memory_space<vmem_shared>>)
      tpu.yield
    }) : () -> ()
    %add3A_9 = arith.constant 256 : i32
    %add3A_10 = arith.addi %mul3A_5, %add3A_9 : i32
    "tpu.region"() ({
      %run_scoped3A = tpu.sem_alloc : memref<!tpu.dma_semaphore, #tpu.memory_space<semaphore_mem>>
      %dma_start3A = arith.constant 0 : i32
      %dma_start3A_42 = tpu.memref_slice %arg12[%add3A_10, %dma_start3A] : memref<10240x128xf32, #tpu.memory_space<vmem_shared>> -> memref<128x128xf32, #tpu.memory_space<vmem_shared>>
      %dma_start3A_43 = arith.constant 0 : i32
      %dma_start3A_44 = tpu.memref_slice %arg12[%add3A_10, %dma_start3A_43] : memref<10240x128xf32, #tpu.memory_space<vmem_shared>> -> memref<128x128xf32, #tpu.memory_space<vmem_shared>>
      tpu.enqueue_dma source(%arg8 : memref<128x128xf32, #tpu.memory_space<vmem>>) target(%dma_start3A_44 : memref<128x128xf32, #tpu.memory_space<vmem_shared>>) target_semaphore(%run_scoped3A : memref<!tpu.dma_semaphore, #tpu.memory_space<semaphore_mem>>)
      %dma_wait3A = arith.constant 0 : i32
      %dma_wait3A_45 = tpu.memref_slice %arg12[%add3A_10, %dma_wait3A] : memref<10240x128xf32, #tpu.memory_space<vmem_shared>> -> memref<128x128xf32, #tpu.memory_space<vmem_shared>>
      %dma_wait3A_46 = arith.constant 0 : i32
      %dma_wait3A_47 = tpu.memref_slice %arg12[%add3A_10, %dma_wait3A_46] : memref<10240x128xf32, #tpu.memory_space<vmem_shared>> -> memref<128x128xf32, #tpu.memory_space<vmem_shared>>
      tpu.wait_dma2 semaphore(%run_scoped3A : memref<!tpu.dma_semaphore, #tpu.memory_space<semaphore_mem>>) src(%arg8 : memref<128x128xf32, #tpu.memory_space<vmem>>) dst(%dma_wait3A_47 : memref<128x128xf32, #tpu.memory_space<vmem_shared>>)
      tpu.yield
    }) : () -> ()
    %add3A_11 = arith.constant 384 : i32
    %add3A_12 = arith.addi %mul3A_5, %add3A_11 : i32
    "tpu.region"() ({
      %run_scoped3A = tpu.sem_alloc : memref<!tpu.dma_semaphore, #tpu.memory_space<semaphore_mem>>
      %dma_start3A = arith.constant 0 : i32
      %dma_start3A_42 = tpu.memref_slice %arg12[%add3A_12, %dma_start3A] : memref<10240x128xf32, #tpu.memory_space<vmem_shared>> -> memref<128x128xf32, #tpu.memory_space<vmem_shared>>
      %dma_start3A_43 = arith.constant 0 : i32
      %dma_start3A_44 = tpu.memref_slice %arg12[%add3A_12, %dma_start3A_43] : memref<10240x128xf32, #tpu.memory_space<vmem_shared>> -> memref<128x128xf32, #tpu.memory_space<vmem_shared>>
      tpu.enqueue_dma source(%arg8 : memref<128x128xf32, #tpu.memory_space<vmem>>) target(%dma_start3A_44 : memref<128x128xf32, #tpu.memory_space<vmem_shared>>) target_semaphore(%run_scoped3A : memref<!tpu.dma_semaphore, #tpu.memory_space<semaphore_mem>>)
      %dma_wait3A = arith.constant 0 : i32
      %dma_wait3A_45 = tpu.memref_slice %arg12[%add3A_12, %dma_wait3A] : memref<10240x128xf32, #tpu.memory_space<vmem_shared>> -> memref<128x128xf32, #tpu.memory_space<vmem_shared>>
      %dma_wait3A_46 = arith.constant 0 : i32
      %dma_wait3A_47 = tpu.memref_slice %arg12[%add3A_12, %dma_wait3A_46] : memref<10240x128xf32, #tpu.memory_space<vmem_shared>> -> memref<128x128xf32, #tpu.memory_space<vmem_shared>>
      tpu.wait_dma2 semaphore(%run_scoped3A : memref<!tpu.dma_semaphore, #tpu.memory_space<semaphore_mem>>) src(%arg8 : memref<128x128xf32, #tpu.memory_space<vmem>>) dst(%dma_wait3A_47 : memref<128x128xf32, #tpu.memory_space<vmem_shared>>)
      tpu.yield
    }) : () -> ()
    %add3A_13 = arith.constant 512 : i32
    %add3A_14 = arith.addi %mul3A_5, %add3A_13 : i32
    "tpu.region"() ({
      %run_scoped3A = tpu.sem_alloc : memref<!tpu.dma_semaphore, #tpu.memory_space<semaphore_mem>>
      %dma_start3A = arith.constant 0 : i32
      %dma_start3A_42 = tpu.memref_slice %arg12[%add3A_14, %dma_start3A] : memref<10240x128xf32, #tpu.memory_space<vmem_shared>> -> memref<128x128xf32, #tpu.memory_space<vmem_shared>>
      %dma_start3A_43 = arith.constant 0 : i32
      %dma_start3A_44 = tpu.memref_slice %arg12[%add3A_14, %dma_start3A_43] : memref<10240x128xf32, #tpu.memory_space<vmem_shared>> -> memref<128x128xf32, #tpu.memory_space<vmem_shared>>
      tpu.enqueue_dma source(%arg8 : memref<128x128xf32, #tpu.memory_space<vmem>>) target(%dma_start3A_44 : memref<128x128xf32, #tpu.memory_space<vmem_shared>>) target_semaphore(%run_scoped3A : memref<!tpu.dma_semaphore, #tpu.memory_space<semaphore_mem>>)
      %dma_wait3A = arith.constant 0 : i32
      %dma_wait3A_45 = tpu.memref_slice %arg12[%add3A_14, %dma_wait3A] : memref<10240x128xf32, #tpu.memory_space<vmem_shared>> -> memref<128x128xf32, #tpu.memory_space<vmem_shared>>
      %dma_wait3A_46 = arith.constant 0 : i32
      %dma_wait3A_47 = tpu.memref_slice %arg12[%add3A_14, %dma_wait3A_46] : memref<10240x128xf32, #tpu.memory_space<vmem_shared>> -> memref<128x128xf32, #tpu.memory_space<vmem_shared>>
      tpu.wait_dma2 semaphore(%run_scoped3A : memref<!tpu.dma_semaphore, #tpu.memory_space<semaphore_mem>>) src(%arg8 : memref<128x128xf32, #tpu.memory_space<vmem>>) dst(%dma_wait3A_47 : memref<128x128xf32, #tpu.memory_space<vmem_shared>>)
      tpu.yield
    }) : () -> ()
    %barrier3A = arith.constant 0 : index
    tpu.barrier barrier_id(%barrier3A)
    %eq3A = arith.constant 0 : i32
    %eq3A_15 = arith.cmpi eq, %arg0, %eq3A : i32
    %mul3A_16 = arith.constant 144 : i32
    %mul3A_17 = arith.muli %arg1, %mul3A_16 : i32
    %mul3A_18 = arith.constant 16 : i32
    %mul3A_19 = arith.muli %arg1, %mul3A_18 : i32
    %add3A_20 = arith.constant 2304 : i32
    %add3A_21 = arith.addi %add3A_20, %mul3A_19 : i32
    %select_n3A = arith.select %eq3A_15, %mul3A_17, %add3A_21 : i32
    %eq3A_22 = arith.constant 0 : i32
    %eq3A_23 = arith.cmpi eq, %arg0, %eq3A_22 : i32
    %select_n3A_24 = arith.constant 1 : i32
    %select_n3A_25 = arith.constant 9 : i32
    %select_n3A_26 = arith.select %eq3A_23, %select_n3A_25, %select_n3A_24 : i32
    %eq3A_27 = arith.constant 0 : i32
    %eq3A_28 = arith.cmpi eq, %arg0, %eq3A_27 : i32
    %select_n3A_29 = arith.constant 16 : i32
    %select_n3A_30 = arith.constant 16 : i32
    %select_n3A_31 = arith.select %eq3A_28, %select_n3A_30, %select_n3A_29 : i32
    %while3A = arith.constant 0 : i32
    %while3A_32 = arith.constant 0 : i32
    %while3A_33 = arith.subi %select_n3A_26, %while3A_32 : i32
    %while3A_34 = arith.addi %while3A_32, %while3A_33 : i32
    %while3A_35 = arith.constant 1 : i32
    %while3A_36 = arith.divsi %while3A_33, %while3A_35 : i32
    %while3A_37 = arith.muli %while3A_36, %while3A_35 : i32
    %while3A_38 = arith.addi %while3A_32, %while3A_37 : i32
    %while3A_39 = arith.constant 1 : i32
    scf.for %while3A_42 = %while3A_32 to %while3A_38 step %while3A_39  : i32 {
      %mul3A_43 = arith.constant 16 : i32
      %mul3A_44 = arith.muli %while3A_42, %mul3A_43 : i32
      %add3A_45 = arith.addi %select_n3A, %mul3A_44 : i32
      %multiple_of3A = tpu.assume_multiple %add3A_45, 8 : i32
      "tpu.region"() ({
        %run_scoped3A = tpu.sem_alloc : memref<!tpu.dma_semaphore, #tpu.memory_space<semaphore_mem>>
        %dma_start3A_86 = arith.constant 0 : i32
        %dma_start3A_87 = tpu.memref_slice %arg3[%multiple_of3A, %dma_start3A_86] : memref<2688x128xi32, #tpu.memory_space<hbm>> -> memref<16x128xi32, #tpu.memory_space<hbm>>
        %dma_start3A_88 = arith.constant 0 : i32
        %dma_start3A_89 = tpu.memref_slice %arg3[%multiple_of3A, %dma_start3A_88] : memref<2688x128xi32, #tpu.memory_space<hbm>> -> memref<16x128xi32, #tpu.memory_space<hbm>>
        tpu.enqueue_dma source(%dma_start3A_89 : memref<16x128xi32, #tpu.memory_space<hbm>>) target(%arg6 : memref<16x128xi32, #tpu.memory_space<vmem>>) target_semaphore(%run_scoped3A : memref<!tpu.dma_semaphore, #tpu.memory_space<semaphore_mem>>)
        %dma_wait3A = arith.constant 0 : i32
        %dma_wait3A_90 = tpu.memref_slice %arg3[%multiple_of3A, %dma_wait3A] : memref<2688x128xi32, #tpu.memory_space<hbm>> -> memref<16x128xi32, #tpu.memory_space<hbm>>
        %dma_wait3A_91 = arith.constant 0 : i32
        %dma_wait3A_92 = tpu.memref_slice %arg3[%multiple_of3A, %dma_wait3A_91] : memref<2688x128xi32, #tpu.memory_space<hbm>> -> memref<16x128xi32, #tpu.memory_space<hbm>>
        tpu.wait_dma2 semaphore(%run_scoped3A : memref<!tpu.dma_semaphore, #tpu.memory_space<semaphore_mem>>) src(%dma_wait3A_92 : memref<16x128xi32, #tpu.memory_space<hbm>>) dst(%arg6 : memref<16x128xi32, #tpu.memory_space<vmem>>)
        tpu.yield
      }) : () -> ()
      "tpu.region"() ({
        %run_scoped3A = tpu.sem_alloc : memref<!tpu.dma_semaphore, #tpu.memory_space<semaphore_mem>>
        %dma_start3A_86 = arith.constant 0 : i32
        %dma_start3A_87 = tpu.memref_slice %arg4[%multiple_of3A, %dma_start3A_86] : memref<2688x128xi32, #tpu.memory_space<hbm>> -> memref<16x128xi32, #tpu.memory_space<hbm>>
        %dma_start3A_88 = arith.constant 0 : i32
        %dma_start3A_89 = tpu.memref_slice %arg4[%multiple_of3A, %dma_start3A_88] : memref<2688x128xi32, #tpu.memory_space<hbm>> -> memref<16x128xi32, #tpu.memory_space<hbm>>
        tpu.enqueue_dma source(%dma_start3A_89 : memref<16x128xi32, #tpu.memory_space<hbm>>) target(%arg7 : memref<16x128xi32, #tpu.memory_space<vmem>>) target_semaphore(%run_scoped3A : memref<!tpu.dma_semaphore, #tpu.memory_space<semaphore_mem>>)
        %dma_wait3A = arith.constant 0 : i32
        %dma_wait3A_90 = tpu.memref_slice %arg4[%multiple_of3A, %dma_wait3A] : memref<2688x128xi32, #tpu.memory_space<hbm>> -> memref<16x128xi32, #tpu.memory_space<hbm>>
        %dma_wait3A_91 = arith.constant 0 : i32
        %dma_wait3A_92 = tpu.memref_slice %arg4[%multiple_of3A, %dma_wait3A_91] : memref<2688x128xi32, #tpu.memory_space<hbm>> -> memref<16x128xi32, #tpu.memory_space<hbm>>
        tpu.wait_dma2 semaphore(%run_scoped3A : memref<!tpu.dma_semaphore, #tpu.memory_space<semaphore_mem>>) src(%dma_wait3A_92 : memref<16x128xi32, #tpu.memory_space<hbm>>) dst(%arg7 : memref<16x128xi32, #tpu.memory_space<vmem>>)
        tpu.yield
      }) : () -> ()
      %dma_start3A = arith.constant 0 : i32
      %dma_start3A_46 = arith.constant 0 : i32
      %dma_start3A_47 = tpu.memref_slice %arg6[%dma_start3A, %dma_start3A_46] : memref<16x128xi32, #tpu.memory_space<vmem>> -> memref<1x128xi32, #tpu.memory_space<vmem>>
      %dma_start3A_48 = tpu.memref_squeeze %dma_start3A_47 : memref<1x128xi32, #tpu.memory_space<vmem>> -> memref<128xi32, #tpu.memory_space<vmem>>
      %dma_start3A_49 = arith.constant 0 : i32
      %dma_start3A_50 = arith.constant 0 : i32
      %dma_start3A_51 = tpu.memref_slice %arg2[%dma_start3A_49, %dma_start3A_50] : memref<10240x128xf32, #tpu.memory_space<hbm>> -> memref<10240x128xf32, #tpu.memory_space<hbm>>
      tpu.enqueue_indirect_dma source(%dma_start3A_51 : memref<10240x128xf32, #tpu.memory_space<hbm>>) target(%arg8 : memref<128x128xf32, #tpu.memory_space<vmem>>) offsets(%dma_start3A_48 : memref<128xi32, #tpu.memory_space<vmem>>) semaphore(%arg10 : memref<!tpu.dma_semaphore, #tpu.memory_space<semaphore_mem>>)
      %dma_start3A_52 = arith.constant 1 : i32
      %dma_start3A_53 = arith.constant 0 : i32
      %dma_start3A_54 = tpu.memref_slice %arg6[%dma_start3A_52, %dma_start3A_53] : memref<16x128xi32, #tpu.memory_space<vmem>> -> memref<1x128xi32, #tpu.memory_space<vmem>>
      %dma_start3A_55 = tpu.memref_squeeze %dma_start3A_54 : memref<1x128xi32, #tpu.memory_space<vmem>> -> memref<128xi32, #tpu.memory_space<vmem>>
      %dma_start3A_56 = arith.constant 0 : i32
      %dma_start3A_57 = arith.constant 0 : i32
      %dma_start3A_58 = tpu.memref_slice %arg2[%dma_start3A_56, %dma_start3A_57] : memref<10240x128xf32, #tpu.memory_space<hbm>> -> memref<10240x128xf32, #tpu.memory_space<hbm>>
      tpu.enqueue_indirect_dma source(%dma_start3A_58 : memref<10240x128xf32, #tpu.memory_space<hbm>>) target(%arg9 : memref<128x128xf32, #tpu.memory_space<vmem>>) offsets(%dma_start3A_55 : memref<128xi32, #tpu.memory_space<vmem>>) semaphore(%arg11 : memref<!tpu.dma_semaphore, #tpu.memory_space<semaphore_mem>>)
      %jit3A = arith.constant 2 : i32
      %div3A = arith.divsi %select_n3A_31, %jit3A : i32
      %sign3A = arith.constant 0 : i32
      %sign3A_59 = arith.cmpi sgt, %select_n3A_31, %sign3A : i32
      %sign3A_60 = arith.extui %sign3A_59 : i1 to i32
      %sign3A_61 = arith.constant 0 : i32
      %sign3A_62 = arith.cmpi slt, %select_n3A_31, %sign3A_61 : i32
      %sign3A_63 = arith.extui %sign3A_62 : i1 to i32
      %sign3A_64 = arith.subi %sign3A_60, %sign3A_63 : i32
      %sign3A_65 = arith.constant 0 : i32
      %sign3A_66 = arith.cmpi sgt, %jit3A, %sign3A_65 : i32
      %sign3A_67 = arith.extui %sign3A_66 : i1 to i32
      %sign3A_68 = arith.constant 0 : i32
      %sign3A_69 = arith.cmpi slt, %jit3A, %sign3A_68 : i32
      %sign3A_70 = arith.extui %sign3A_69 : i1 to i32
      %sign3A_71 = arith.subi %sign3A_67, %sign3A_70 : i32
      %ne3A = arith.cmpi ne, %sign3A_64, %sign3A_71 : i32
      %rem3A = arith.remsi %select_n3A_31, %jit3A : i32
      %ne3A_72 = arith.constant 0 : i32
      %ne3A_73 = arith.cmpi ne, %rem3A, %ne3A_72 : i32
      %and3A = arith.andi %ne3A, %ne3A_73 : i1
      %sub3A = arith.constant 1 : i32
      %sub3A_74 = arith.subi %div3A, %sub3A : i32
      %select_n3A_75 = arith.select %and3A, %sub3A_74, %div3A : i32
      %while3A_76 = arith.constant 0 : i32
      %while3A_77 = arith.constant 0 : i32
      %while3A_78 = arith.subi %select_n3A_75, %while3A_77 : i32
      %while3A_79 = arith.addi %while3A_77, %while3A_78 : i32
      %while3A_80 = arith.constant 1 : i32
      %while3A_81 = arith.divsi %while3A_78, %while3A_80 : i32
      %while3A_82 = arith.muli %while3A_81, %while3A_80 : i32
      %while3A_83 = arith.addi %while3A_77, %while3A_82 : i32
      %while3A_84 = arith.constant 1 : i32
      scf.for %while3A_86 = %while3A_77 to %while3A_83 step %while3A_84  : i32 {
        %mul3A_87 = arith.constant 2 : i32
        %mul3A_88 = arith.muli %while3A_86, %mul3A_87 : i32
        %add3A_89 = arith.constant 0 : i32
        %add3A_90 = arith.addi %mul3A_88, %add3A_89 : i32
        %dma_wait3A = arith.constant 0 : i32
        %dma_wait3A_91 = tpu.memref_slice %arg6[%add3A_90, %dma_wait3A] : memref<16x128xi32, #tpu.memory_space<vmem>> -> memref<1x128xi32, #tpu.memory_space<vmem>>
        %dma_wait3A_92 = tpu.memref_squeeze %dma_wait3A_91 : memref<1x128xi32, #tpu.memory_space<vmem>> -> memref<128xi32, #tpu.memory_space<vmem>>
        %dma_wait3A_93 = arith.constant 0 : i32
        %dma_wait3A_94 = arith.constant 0 : i32
        %dma_wait3A_95 = tpu.memref_slice %arg2[%dma_wait3A_93, %dma_wait3A_94] : memref<10240x128xf32, #tpu.memory_space<hbm>> -> memref<10240x128xf32, #tpu.memory_space<hbm>>
        tpu.wait_indirect_dma semaphore(%arg10 : memref<!tpu.dma_semaphore, #tpu.memory_space<semaphore_mem>>) src(%dma_wait3A_95 : memref<10240x128xf32, #tpu.memory_space<hbm>>) dst(%arg8 : memref<128x128xf32, #tpu.memory_space<vmem>>)
        "tpu.region"() ({
          %run_scoped3A = tpu.sem_alloc : memref<!tpu.dma_semaphore, #tpu.memory_space<semaphore_mem>>
          %dma_start3A_115 = arith.constant 0 : i32
          %dma_start3A_116 = tpu.memref_slice %arg7[%add3A_90, %dma_start3A_115] : memref<16x128xi32, #tpu.memory_space<vmem>> -> memref<1x128xi32, #tpu.memory_space<vmem>>
          %dma_start3A_117 = tpu.memref_squeeze %dma_start3A_116 : memref<1x128xi32, #tpu.memory_space<vmem>> -> memref<128xi32, #tpu.memory_space<vmem>>
          %dma_start3A_118 = arith.constant 0 : i32
          %dma_start3A_119 = arith.constant 0 : i32
          %dma_start3A_120 = tpu.memref_slice %arg12[%dma_start3A_118, %dma_start3A_119] : memref<10240x128xf32, #tpu.memory_space<vmem_shared>> -> memref<10240x128xf32, #tpu.memory_space<vmem_shared>>
          tpu.enqueue_indirect_dma source(%arg8 : memref<128x128xf32, #tpu.memory_space<vmem>>) target(%dma_start3A_120 : memref<10240x128xf32, #tpu.memory_space<vmem_shared>>) offsets(%dma_start3A_117 : memref<128xi32, #tpu.memory_space<vmem>>) semaphore(%run_scoped3A : memref<!tpu.dma_semaphore, #tpu.memory_space<semaphore_mem>>) {add = true}
          %dma_wait3A_121 = arith.constant 0 : i32
          %dma_wait3A_122 = tpu.memref_slice %arg7[%add3A_90, %dma_wait3A_121] : memref<16x128xi32, #tpu.memory_space<vmem>> -> memref<1x128xi32, #tpu.memory_space<vmem>>
          %dma_wait3A_123 = tpu.memref_squeeze %dma_wait3A_122 : memref<1x128xi32, #tpu.memory_space<vmem>> -> memref<128xi32, #tpu.memory_space<vmem>>
          %dma_wait3A_124 = arith.constant 0 : i32
          %dma_wait3A_125 = arith.constant 0 : i32
          %dma_wait3A_126 = tpu.memref_slice %arg12[%dma_wait3A_124, %dma_wait3A_125] : memref<10240x128xf32, #tpu.memory_space<vmem_shared>> -> memref<10240x128xf32, #tpu.memory_space<vmem_shared>>
          tpu.wait_indirect_dma semaphore(%run_scoped3A : memref<!tpu.dma_semaphore, #tpu.memory_space<semaphore_mem>>) src(%arg8 : memref<128x128xf32, #tpu.memory_space<vmem>>) dst(%dma_wait3A_126 : memref<10240x128xf32, #tpu.memory_space<vmem_shared>>)
          tpu.yield
        }) : () -> ()
        %add3A_96 = arith.constant 2 : i32
        %add3A_97 = arith.addi %add3A_90, %add3A_96 : i32
        %lt3A = arith.cmpi slt, %add3A_97, %select_n3A_31 : i32
        %convert_element_type3A = arith.extui %lt3A : i1 to i32
        %cond3A = arith.constant 0 : i32
        %cond3A_98 = arith.cmpi ne, %convert_element_type3A, %cond3A : i32
        scf.if %cond3A_98 {
          %add3A_115 = arith.constant 2 : i32
          %add3A_116 = arith.addi %add3A_90, %add3A_115 : i32
          %dma_start3A_117 = arith.constant 0 : i32
          %dma_start3A_118 = tpu.memref_slice %arg6[%add3A_116, %dma_start3A_117] : memref<16x128xi32, #tpu.memory_space<vmem>> -> memref<1x128xi32, #tpu.memory_space<vmem>>
          %dma_start3A_119 = tpu.memref_squeeze %dma_start3A_118 : memref<1x128xi32, #tpu.memory_space<vmem>> -> memref<128xi32, #tpu.memory_space<vmem>>
          %dma_start3A_120 = arith.constant 0 : i32
          %dma_start3A_121 = arith.constant 0 : i32
          %dma_start3A_122 = tpu.memref_slice %arg2[%dma_start3A_120, %dma_start3A_121] : memref<10240x128xf32, #tpu.memory_space<hbm>> -> memref<10240x128xf32, #tpu.memory_space<hbm>>
          tpu.enqueue_indirect_dma source(%dma_start3A_122 : memref<10240x128xf32, #tpu.memory_space<hbm>>) target(%arg8 : memref<128x128xf32, #tpu.memory_space<vmem>>) offsets(%dma_start3A_119 : memref<128xi32, #tpu.memory_space<vmem>>) semaphore(%arg10 : memref<!tpu.dma_semaphore, #tpu.memory_space<semaphore_mem>>)
        } else {
        }
        %mul3A_99 = arith.constant 2 : i32
        %mul3A_100 = arith.muli %while3A_86, %mul3A_99 : i32
        %add3A_101 = arith.constant 1 : i32
        %add3A_102 = arith.addi %mul3A_100, %add3A_101 : i32
        %dma_wait3A_103 = arith.constant 0 : i32
        %dma_wait3A_104 = tpu.memref_slice %arg6[%add3A_102, %dma_wait3A_103] : memref<16x128xi32, #tpu.memory_space<vmem>> -> memref<1x128xi32, #tpu.memory_space<vmem>>
        %dma_wait3A_105 = tpu.memref_squeeze %dma_wait3A_104 : memref<1x128xi32, #tpu.memory_space<vmem>> -> memref<128xi32, #tpu.memory_space<vmem>>
        %dma_wait3A_106 = arith.constant 0 : i32
        %dma_wait3A_107 = arith.constant 0 : i32
        %dma_wait3A_108 = tpu.memref_slice %arg2[%dma_wait3A_106, %dma_wait3A_107] : memref<10240x128xf32, #tpu.memory_space<hbm>> -> memref<10240x128xf32, #tpu.memory_space<hbm>>
        tpu.wait_indirect_dma semaphore(%arg11 : memref<!tpu.dma_semaphore, #tpu.memory_space<semaphore_mem>>) src(%dma_wait3A_108 : memref<10240x128xf32, #tpu.memory_space<hbm>>) dst(%arg9 : memref<128x128xf32, #tpu.memory_space<vmem>>)
        "tpu.region"() ({
          %run_scoped3A = tpu.sem_alloc : memref<!tpu.dma_semaphore, #tpu.memory_space<semaphore_mem>>
          %dma_start3A_115 = arith.constant 0 : i32
          %dma_start3A_116 = tpu.memref_slice %arg7[%add3A_102, %dma_start3A_115] : memref<16x128xi32, #tpu.memory_space<vmem>> -> memref<1x128xi32, #tpu.memory_space<vmem>>
          %dma_start3A_117 = tpu.memref_squeeze %dma_start3A_116 : memref<1x128xi32, #tpu.memory_space<vmem>> -> memref<128xi32, #tpu.memory_space<vmem>>
          %dma_start3A_118 = arith.constant 0 : i32
          %dma_start3A_119 = arith.constant 0 : i32
          %dma_start3A_120 = tpu.memref_slice %arg12[%dma_start3A_118, %dma_start3A_119] : memref<10240x128xf32, #tpu.memory_space<vmem_shared>> -> memref<10240x128xf32, #tpu.memory_space<vmem_shared>>
          tpu.enqueue_indirect_dma source(%arg9 : memref<128x128xf32, #tpu.memory_space<vmem>>) target(%dma_start3A_120 : memref<10240x128xf32, #tpu.memory_space<vmem_shared>>) offsets(%dma_start3A_117 : memref<128xi32, #tpu.memory_space<vmem>>) semaphore(%run_scoped3A : memref<!tpu.dma_semaphore, #tpu.memory_space<semaphore_mem>>) {add = true}
          %dma_wait3A_121 = arith.constant 0 : i32
          %dma_wait3A_122 = tpu.memref_slice %arg7[%add3A_102, %dma_wait3A_121] : memref<16x128xi32, #tpu.memory_space<vmem>> -> memref<1x128xi32, #tpu.memory_space<vmem>>
          %dma_wait3A_123 = tpu.memref_squeeze %dma_wait3A_122 : memref<1x128xi32, #tpu.memory_space<vmem>> -> memref<128xi32, #tpu.memory_space<vmem>>
          %dma_wait3A_124 = arith.constant 0 : i32
          %dma_wait3A_125 = arith.constant 0 : i32
          %dma_wait3A_126 = tpu.memref_slice %arg12[%dma_wait3A_124, %dma_wait3A_125] : memref<10240x128xf32, #tpu.memory_space<vmem_shared>> -> memref<10240x128xf32, #tpu.memory_space<vmem_shared>>
          tpu.wait_indirect_dma semaphore(%run_scoped3A : memref<!tpu.dma_semaphore, #tpu.memory_space<semaphore_mem>>) src(%arg9 : memref<128x128xf32, #tpu.memory_space<vmem>>) dst(%dma_wait3A_126 : memref<10240x128xf32, #tpu.memory_space<vmem_shared>>)
          tpu.yield
        }) : () -> ()
        %add3A_109 = arith.constant 2 : i32
        %add3A_110 = arith.addi %add3A_102, %add3A_109 : i32
        %lt3A_111 = arith.cmpi slt, %add3A_110, %select_n3A_31 : i32
        %convert_element_type3A_112 = arith.extui %lt3A_111 : i1 to i32
        %cond3A_113 = arith.constant 0 : i32
        %cond3A_114 = arith.cmpi ne, %convert_element_type3A_112, %cond3A_113 : i32
        scf.if %cond3A_114 {
          %add3A_115 = arith.constant 2 : i32
          %add3A_116 = arith.addi %add3A_102, %add3A_115 : i32
          %dma_start3A_117 = arith.constant 0 : i32
          %dma_start3A_118 = tpu.memref_slice %arg6[%add3A_116, %dma_start3A_117] : memref<16x128xi32, #tpu.memory_space<vmem>> -> memref<1x128xi32, #tpu.memory_space<vmem>>
          %dma_start3A_119 = tpu.memref_squeeze %dma_start3A_118 : memref<1x128xi32, #tpu.memory_space<vmem>> -> memref<128xi32, #tpu.memory_space<vmem>>
          %dma_start3A_120 = arith.constant 0 : i32
          %dma_start3A_121 = arith.constant 0 : i32
          %dma_start3A_122 = tpu.memref_slice %arg2[%dma_start3A_120, %dma_start3A_121] : memref<10240x128xf32, #tpu.memory_space<hbm>> -> memref<10240x128xf32, #tpu.memory_space<hbm>>
          tpu.enqueue_indirect_dma source(%dma_start3A_122 : memref<10240x128xf32, #tpu.memory_space<hbm>>) target(%arg9 : memref<128x128xf32, #tpu.memory_space<vmem>>) offsets(%dma_start3A_119 : memref<128xi32, #tpu.memory_space<vmem>>) semaphore(%arg11 : memref<!tpu.dma_semaphore, #tpu.memory_space<semaphore_mem>>)
        } else {
        }
      }
      %while3A_85 = arith.constant 1 : i32
      scf.for %while3A_86 = %while3A_83 to %while3A_79 step %while3A_85  : i32 {
        %mul3A_87 = arith.constant 2 : i32
        %mul3A_88 = arith.muli %while3A_86, %mul3A_87 : i32
        %add3A_89 = arith.constant 0 : i32
        %add3A_90 = arith.addi %mul3A_88, %add3A_89 : i32
        %dma_wait3A = arith.constant 0 : i32
        %dma_wait3A_91 = tpu.memref_slice %arg6[%add3A_90, %dma_wait3A] : memref<16x128xi32, #tpu.memory_space<vmem>> -> memref<1x128xi32, #tpu.memory_space<vmem>>
        %dma_wait3A_92 = tpu.memref_squeeze %dma_wait3A_91 : memref<1x128xi32, #tpu.memory_space<vmem>> -> memref<128xi32, #tpu.memory_space<vmem>>
        %dma_wait3A_93 = arith.constant 0 : i32
        %dma_wait3A_94 = arith.constant 0 : i32
        %dma_wait3A_95 = tpu.memref_slice %arg2[%dma_wait3A_93, %dma_wait3A_94] : memref<10240x128xf32, #tpu.memory_space<hbm>> -> memref<10240x128xf32, #tpu.memory_space<hbm>>
        tpu.wait_indirect_dma semaphore(%arg10 : memref<!tpu.dma_semaphore, #tpu.memory_space<semaphore_mem>>) src(%dma_wait3A_95 : memref<10240x128xf32, #tpu.memory_space<hbm>>) dst(%arg8 : memref<128x128xf32, #tpu.memory_space<vmem>>)
        "tpu.region"() ({
          %run_scoped3A = tpu.sem_alloc : memref<!tpu.dma_semaphore, #tpu.memory_space<semaphore_mem>>
          %dma_start3A_115 = arith.constant 0 : i32
          %dma_start3A_116 = tpu.memref_slice %arg7[%add3A_90, %dma_start3A_115] : memref<16x128xi32, #tpu.memory_space<vmem>> -> memref<1x128xi32, #tpu.memory_space<vmem>>
          %dma_start3A_117 = tpu.memref_squeeze %dma_start3A_116 : memref<1x128xi32, #tpu.memory_space<vmem>> -> memref<128xi32, #tpu.memory_space<vmem>>
          %dma_start3A_118 = arith.constant 0 : i32
          %dma_start3A_119 = arith.constant 0 : i32
          %dma_start3A_120 = tpu.memref_slice %arg12[%dma_start3A_118, %dma_start3A_119] : memref<10240x128xf32, #tpu.memory_space<vmem_shared>> -> memref<10240x128xf32, #tpu.memory_space<vmem_shared>>
          tpu.enqueue_indirect_dma source(%arg8 : memref<128x128xf32, #tpu.memory_space<vmem>>) target(%dma_start3A_120 : memref<10240x128xf32, #tpu.memory_space<vmem_shared>>) offsets(%dma_start3A_117 : memref<128xi32, #tpu.memory_space<vmem>>) semaphore(%run_scoped3A : memref<!tpu.dma_semaphore, #tpu.memory_space<semaphore_mem>>) {add = true}
          %dma_wait3A_121 = arith.constant 0 : i32
          %dma_wait3A_122 = tpu.memref_slice %arg7[%add3A_90, %dma_wait3A_121] : memref<16x128xi32, #tpu.memory_space<vmem>> -> memref<1x128xi32, #tpu.memory_space<vmem>>
          %dma_wait3A_123 = tpu.memref_squeeze %dma_wait3A_122 : memref<1x128xi32, #tpu.memory_space<vmem>> -> memref<128xi32, #tpu.memory_space<vmem>>
          %dma_wait3A_124 = arith.constant 0 : i32
          %dma_wait3A_125 = arith.constant 0 : i32
          %dma_wait3A_126 = tpu.memref_slice %arg12[%dma_wait3A_124, %dma_wait3A_125] : memref<10240x128xf32, #tpu.memory_space<vmem_shared>> -> memref<10240x128xf32, #tpu.memory_space<vmem_shared>>
          tpu.wait_indirect_dma semaphore(%run_scoped3A : memref<!tpu.dma_semaphore, #tpu.memory_space<semaphore_mem>>) src(%arg8 : memref<128x128xf32, #tpu.memory_space<vmem>>) dst(%dma_wait3A_126 : memref<10240x128xf32, #tpu.memory_space<vmem_shared>>)
          tpu.yield
        }) : () -> ()
        %add3A_96 = arith.constant 2 : i32
        %add3A_97 = arith.addi %add3A_90, %add3A_96 : i32
        %lt3A = arith.cmpi slt, %add3A_97, %select_n3A_31 : i32
        %convert_element_type3A = arith.extui %lt3A : i1 to i32
        %cond3A = arith.constant 0 : i32
        %cond3A_98 = arith.cmpi ne, %convert_element_type3A, %cond3A : i32
        scf.if %cond3A_98 {
          %add3A_115 = arith.constant 2 : i32
          %add3A_116 = arith.addi %add3A_90, %add3A_115 : i32
          %dma_start3A_117 = arith.constant 0 : i32
          %dma_start3A_118 = tpu.memref_slice %arg6[%add3A_116, %dma_start3A_117] : memref<16x128xi32, #tpu.memory_space<vmem>> -> memref<1x128xi32, #tpu.memory_space<vmem>>
          %dma_start3A_119 = tpu.memref_squeeze %dma_start3A_118 : memref<1x128xi32, #tpu.memory_space<vmem>> -> memref<128xi32, #tpu.memory_space<vmem>>
          %dma_start3A_120 = arith.constant 0 : i32
          %dma_start3A_121 = arith.constant 0 : i32
          %dma_start3A_122 = tpu.memref_slice %arg2[%dma_start3A_120, %dma_start3A_121] : memref<10240x128xf32, #tpu.memory_space<hbm>> -> memref<10240x128xf32, #tpu.memory_space<hbm>>
          tpu.enqueue_indirect_dma source(%dma_start3A_122 : memref<10240x128xf32, #tpu.memory_space<hbm>>) target(%arg8 : memref<128x128xf32, #tpu.memory_space<vmem>>) offsets(%dma_start3A_119 : memref<128xi32, #tpu.memory_space<vmem>>) semaphore(%arg10 : memref<!tpu.dma_semaphore, #tpu.memory_space<semaphore_mem>>)
        } else {
        }
        %mul3A_99 = arith.constant 2 : i32
        %mul3A_100 = arith.muli %while3A_86, %mul3A_99 : i32
        %add3A_101 = arith.constant 1 : i32
        %add3A_102 = arith.addi %mul3A_100, %add3A_101 : i32
        %dma_wait3A_103 = arith.constant 0 : i32
        %dma_wait3A_104 = tpu.memref_slice %arg6[%add3A_102, %dma_wait3A_103] : memref<16x128xi32, #tpu.memory_space<vmem>> -> memref<1x128xi32, #tpu.memory_space<vmem>>
        %dma_wait3A_105 = tpu.memref_squeeze %dma_wait3A_104 : memref<1x128xi32, #tpu.memory_space<vmem>> -> memref<128xi32, #tpu.memory_space<vmem>>
        %dma_wait3A_106 = arith.constant 0 : i32
        %dma_wait3A_107 = arith.constant 0 : i32
        %dma_wait3A_108 = tpu.memref_slice %arg2[%dma_wait3A_106, %dma_wait3A_107] : memref<10240x128xf32, #tpu.memory_space<hbm>> -> memref<10240x128xf32, #tpu.memory_space<hbm>>
        tpu.wait_indirect_dma semaphore(%arg11 : memref<!tpu.dma_semaphore, #tpu.memory_space<semaphore_mem>>) src(%dma_wait3A_108 : memref<10240x128xf32, #tpu.memory_space<hbm>>) dst(%arg9 : memref<128x128xf32, #tpu.memory_space<vmem>>)
        "tpu.region"() ({
          %run_scoped3A = tpu.sem_alloc : memref<!tpu.dma_semaphore, #tpu.memory_space<semaphore_mem>>
          %dma_start3A_115 = arith.constant 0 : i32
          %dma_start3A_116 = tpu.memref_slice %arg7[%add3A_102, %dma_start3A_115] : memref<16x128xi32, #tpu.memory_space<vmem>> -> memref<1x128xi32, #tpu.memory_space<vmem>>
          %dma_start3A_117 = tpu.memref_squeeze %dma_start3A_116 : memref<1x128xi32, #tpu.memory_space<vmem>> -> memref<128xi32, #tpu.memory_space<vmem>>
          %dma_start3A_118 = arith.constant 0 : i32
          %dma_start3A_119 = arith.constant 0 : i32
          %dma_start3A_120 = tpu.memref_slice %arg12[%dma_start3A_118, %dma_start3A_119] : memref<10240x128xf32, #tpu.memory_space<vmem_shared>> -> memref<10240x128xf32, #tpu.memory_space<vmem_shared>>
          tpu.enqueue_indirect_dma source(%arg9 : memref<128x128xf32, #tpu.memory_space<vmem>>) target(%dma_start3A_120 : memref<10240x128xf32, #tpu.memory_space<vmem_shared>>) offsets(%dma_start3A_117 : memref<128xi32, #tpu.memory_space<vmem>>) semaphore(%run_scoped3A : memref<!tpu.dma_semaphore, #tpu.memory_space<semaphore_mem>>) {add = true}
          %dma_wait3A_121 = arith.constant 0 : i32
          %dma_wait3A_122 = tpu.memref_slice %arg7[%add3A_102, %dma_wait3A_121] : memref<16x128xi32, #tpu.memory_space<vmem>> -> memref<1x128xi32, #tpu.memory_space<vmem>>
          %dma_wait3A_123 = tpu.memref_squeeze %dma_wait3A_122 : memref<1x128xi32, #tpu.memory_space<vmem>> -> memref<128xi32, #tpu.memory_space<vmem>>
          %dma_wait3A_124 = arith.constant 0 : i32
          %dma_wait3A_125 = arith.constant 0 : i32
          %dma_wait3A_126 = tpu.memref_slice %arg12[%dma_wait3A_124, %dma_wait3A_125] : memref<10240x128xf32, #tpu.memory_space<vmem_shared>> -> memref<10240x128xf32, #tpu.memory_space<vmem_shared>>
          tpu.wait_indirect_dma semaphore(%run_scoped3A : memref<!tpu.dma_semaphore, #tpu.memory_space<semaphore_mem>>) src(%arg9 : memref<128x128xf32, #tpu.memory_space<vmem>>) dst(%dma_wait3A_126 : memref<10240x128xf32, #tpu.memory_space<vmem_shared>>)
          tpu.yield
        }) : () -> ()
        %add3A_109 = arith.constant 2 : i32
        %add3A_110 = arith.addi %add3A_102, %add3A_109 : i32
        %lt3A_111 = arith.cmpi slt, %add3A_110, %select_n3A_31 : i32
        %convert_element_type3A_112 = arith.extui %lt3A_111 : i1 to i32
        %cond3A_113 = arith.constant 0 : i32
        %cond3A_114 = arith.cmpi ne, %convert_element_type3A_112, %cond3A_113 : i32
        scf.if %cond3A_114 {
          %add3A_115 = arith.constant 2 : i32
          %add3A_116 = arith.addi %add3A_102, %add3A_115 : i32
          %dma_start3A_117 = arith.constant 0 : i32
          %dma_start3A_118 = tpu.memref_slice %arg6[%add3A_116, %dma_start3A_117] : memref<16x128xi32, #tpu.memory_space<vmem>> -> memref<1x128xi32, #tpu.memory_space<vmem>>
          %dma_start3A_119 = tpu.memref_squeeze %dma_start3A_118 : memref<1x128xi32, #tpu.memory_space<vmem>> -> memref<128xi32, #tpu.memory_space<vmem>>
          %dma_start3A_120 = arith.constant 0 : i32
          %dma_start3A_121 = arith.constant 0 : i32
          %dma_start3A_122 = tpu.memref_slice %arg2[%dma_start3A_120, %dma_start3A_121] : memref<10240x128xf32, #tpu.memory_space<hbm>> -> memref<10240x128xf32, #tpu.memory_space<hbm>>
          tpu.enqueue_indirect_dma source(%dma_start3A_122 : memref<10240x128xf32, #tpu.memory_space<hbm>>) target(%arg9 : memref<128x128xf32, #tpu.memory_space<vmem>>) offsets(%dma_start3A_119 : memref<128xi32, #tpu.memory_space<vmem>>) semaphore(%arg11 : memref<!tpu.dma_semaphore, #tpu.memory_space<semaphore_mem>>)
        } else {
        }
      }
    }
    %while3A_40 = arith.constant 1 : i32
    scf.for %while3A_42 = %while3A_38 to %while3A_34 step %while3A_40  : i32 {
      %mul3A_43 = arith.constant 16 : i32
      %mul3A_44 = arith.muli %while3A_42, %mul3A_43 : i32
      %add3A_45 = arith.addi %select_n3A, %mul3A_44 : i32
      %multiple_of3A = tpu.assume_multiple %add3A_45, 8 : i32
      "tpu.region"() ({
        %run_scoped3A = tpu.sem_alloc : memref<!tpu.dma_semaphore, #tpu.memory_space<semaphore_mem>>
        %dma_start3A_86 = arith.constant 0 : i32
        %dma_start3A_87 = tpu.memref_slice %arg3[%multiple_of3A, %dma_start3A_86] : memref<2688x128xi32, #tpu.memory_space<hbm>> -> memref<16x128xi32, #tpu.memory_space<hbm>>
        %dma_start3A_88 = arith.constant 0 : i32
        %dma_start3A_89 = tpu.memref_slice %arg3[%multiple_of3A, %dma_start3A_88] : memref<2688x128xi32, #tpu.memory_space<hbm>> -> memref<16x128xi32, #tpu.memory_space<hbm>>
        tpu.enqueue_dma source(%dma_start3A_89 : memref<16x128xi32, #tpu.memory_space<hbm>>) target(%arg6 : memref<16x128xi32, #tpu.memory_space<vmem>>) target_semaphore(%run_scoped3A : memref<!tpu.dma_semaphore, #tpu.memory_space<semaphore_mem>>)
        %dma_wait3A = arith.constant 0 : i32
        %dma_wait3A_90 = tpu.memref_slice %arg3[%multiple_of3A, %dma_wait3A] : memref<2688x128xi32, #tpu.memory_space<hbm>> -> memref<16x128xi32, #tpu.memory_space<hbm>>
        %dma_wait3A_91 = arith.constant 0 : i32
        %dma_wait3A_92 = tpu.memref_slice %arg3[%multiple_of3A, %dma_wait3A_91] : memref<2688x128xi32, #tpu.memory_space<hbm>> -> memref<16x128xi32, #tpu.memory_space<hbm>>
        tpu.wait_dma2 semaphore(%run_scoped3A : memref<!tpu.dma_semaphore, #tpu.memory_space<semaphore_mem>>) src(%dma_wait3A_92 : memref<16x128xi32, #tpu.memory_space<hbm>>) dst(%arg6 : memref<16x128xi32, #tpu.memory_space<vmem>>)
        tpu.yield
      }) : () -> ()
      "tpu.region"() ({
        %run_scoped3A = tpu.sem_alloc : memref<!tpu.dma_semaphore, #tpu.memory_space<semaphore_mem>>
        %dma_start3A_86 = arith.constant 0 : i32
        %dma_start3A_87 = tpu.memref_slice %arg4[%multiple_of3A, %dma_start3A_86] : memref<2688x128xi32, #tpu.memory_space<hbm>> -> memref<16x128xi32, #tpu.memory_space<hbm>>
        %dma_start3A_88 = arith.constant 0 : i32
        %dma_start3A_89 = tpu.memref_slice %arg4[%multiple_of3A, %dma_start3A_88] : memref<2688x128xi32, #tpu.memory_space<hbm>> -> memref<16x128xi32, #tpu.memory_space<hbm>>
        tpu.enqueue_dma source(%dma_start3A_89 : memref<16x128xi32, #tpu.memory_space<hbm>>) target(%arg7 : memref<16x128xi32, #tpu.memory_space<vmem>>) target_semaphore(%run_scoped3A : memref<!tpu.dma_semaphore, #tpu.memory_space<semaphore_mem>>)
        %dma_wait3A = arith.constant 0 : i32
        %dma_wait3A_90 = tpu.memref_slice %arg4[%multiple_of3A, %dma_wait3A] : memref<2688x128xi32, #tpu.memory_space<hbm>> -> memref<16x128xi32, #tpu.memory_space<hbm>>
        %dma_wait3A_91 = arith.constant 0 : i32
        %dma_wait3A_92 = tpu.memref_slice %arg4[%multiple_of3A, %dma_wait3A_91] : memref<2688x128xi32, #tpu.memory_space<hbm>> -> memref<16x128xi32, #tpu.memory_space<hbm>>
        tpu.wait_dma2 semaphore(%run_scoped3A : memref<!tpu.dma_semaphore, #tpu.memory_space<semaphore_mem>>) src(%dma_wait3A_92 : memref<16x128xi32, #tpu.memory_space<hbm>>) dst(%arg7 : memref<16x128xi32, #tpu.memory_space<vmem>>)
        tpu.yield
      }) : () -> ()
      %dma_start3A = arith.constant 0 : i32
      %dma_start3A_46 = arith.constant 0 : i32
      %dma_start3A_47 = tpu.memref_slice %arg6[%dma_start3A, %dma_start3A_46] : memref<16x128xi32, #tpu.memory_space<vmem>> -> memref<1x128xi32, #tpu.memory_space<vmem>>
      %dma_start3A_48 = tpu.memref_squeeze %dma_start3A_47 : memref<1x128xi32, #tpu.memory_space<vmem>> -> memref<128xi32, #tpu.memory_space<vmem>>
      %dma_start3A_49 = arith.constant 0 : i32
      %dma_start3A_50 = arith.constant 0 : i32
      %dma_start3A_51 = tpu.memref_slice %arg2[%dma_start3A_49, %dma_start3A_50] : memref<10240x128xf32, #tpu.memory_space<hbm>> -> memref<10240x128xf32, #tpu.memory_space<hbm>>
      tpu.enqueue_indirect_dma source(%dma_start3A_51 : memref<10240x128xf32, #tpu.memory_space<hbm>>) target(%arg8 : memref<128x128xf32, #tpu.memory_space<vmem>>) offsets(%dma_start3A_48 : memref<128xi32, #tpu.memory_space<vmem>>) semaphore(%arg10 : memref<!tpu.dma_semaphore, #tpu.memory_space<semaphore_mem>>)
      %dma_start3A_52 = arith.constant 1 : i32
      %dma_start3A_53 = arith.constant 0 : i32
      %dma_start3A_54 = tpu.memref_slice %arg6[%dma_start3A_52, %dma_start3A_53] : memref<16x128xi32, #tpu.memory_space<vmem>> -> memref<1x128xi32, #tpu.memory_space<vmem>>
      %dma_start3A_55 = tpu.memref_squeeze %dma_start3A_54 : memref<1x128xi32, #tpu.memory_space<vmem>> -> memref<128xi32, #tpu.memory_space<vmem>>
      %dma_start3A_56 = arith.constant 0 : i32
      %dma_start3A_57 = arith.constant 0 : i32
      %dma_start3A_58 = tpu.memref_slice %arg2[%dma_start3A_56, %dma_start3A_57] : memref<10240x128xf32, #tpu.memory_space<hbm>> -> memref<10240x128xf32, #tpu.memory_space<hbm>>
      tpu.enqueue_indirect_dma source(%dma_start3A_58 : memref<10240x128xf32, #tpu.memory_space<hbm>>) target(%arg9 : memref<128x128xf32, #tpu.memory_space<vmem>>) offsets(%dma_start3A_55 : memref<128xi32, #tpu.memory_space<vmem>>) semaphore(%arg11 : memref<!tpu.dma_semaphore, #tpu.memory_space<semaphore_mem>>)
      %jit3A = arith.constant 2 : i32
      %div3A = arith.divsi %select_n3A_31, %jit3A : i32
      %sign3A = arith.constant 0 : i32
      %sign3A_59 = arith.cmpi sgt, %select_n3A_31, %sign3A : i32
      %sign3A_60 = arith.extui %sign3A_59 : i1 to i32
      %sign3A_61 = arith.constant 0 : i32
      %sign3A_62 = arith.cmpi slt, %select_n3A_31, %sign3A_61 : i32
      %sign3A_63 = arith.extui %sign3A_62 : i1 to i32
      %sign3A_64 = arith.subi %sign3A_60, %sign3A_63 : i32
      %sign3A_65 = arith.constant 0 : i32
      %sign3A_66 = arith.cmpi sgt, %jit3A, %sign3A_65 : i32
      %sign3A_67 = arith.extui %sign3A_66 : i1 to i32
      %sign3A_68 = arith.constant 0 : i32
      %sign3A_69 = arith.cmpi slt, %jit3A, %sign3A_68 : i32
      %sign3A_70 = arith.extui %sign3A_69 : i1 to i32
      %sign3A_71 = arith.subi %sign3A_67, %sign3A_70 : i32
      %ne3A = arith.cmpi ne, %sign3A_64, %sign3A_71 : i32
      %rem3A = arith.remsi %select_n3A_31, %jit3A : i32
      %ne3A_72 = arith.constant 0 : i32
      %ne3A_73 = arith.cmpi ne, %rem3A, %ne3A_72 : i32
      %and3A = arith.andi %ne3A, %ne3A_73 : i1
      %sub3A = arith.constant 1 : i32
      %sub3A_74 = arith.subi %div3A, %sub3A : i32
      %select_n3A_75 = arith.select %and3A, %sub3A_74, %div3A : i32
      %while3A_76 = arith.constant 0 : i32
      %while3A_77 = arith.constant 0 : i32
      %while3A_78 = arith.subi %select_n3A_75, %while3A_77 : i32
      %while3A_79 = arith.addi %while3A_77, %while3A_78 : i32
      %while3A_80 = arith.constant 1 : i32
      %while3A_81 = arith.divsi %while3A_78, %while3A_80 : i32
      %while3A_82 = arith.muli %while3A_81, %while3A_80 : i32
      %while3A_83 = arith.addi %while3A_77, %while3A_82 : i32
      %while3A_84 = arith.constant 1 : i32
      scf.for %while3A_86 = %while3A_77 to %while3A_83 step %while3A_84  : i32 {
        %mul3A_87 = arith.constant 2 : i32
        %mul3A_88 = arith.muli %while3A_86, %mul3A_87 : i32
        %add3A_89 = arith.constant 0 : i32
        %add3A_90 = arith.addi %mul3A_88, %add3A_89 : i32
        %dma_wait3A = arith.constant 0 : i32
        %dma_wait3A_91 = tpu.memref_slice %arg6[%add3A_90, %dma_wait3A] : memref<16x128xi32, #tpu.memory_space<vmem>> -> memref<1x128xi32, #tpu.memory_space<vmem>>
        %dma_wait3A_92 = tpu.memref_squeeze %dma_wait3A_91 : memref<1x128xi32, #tpu.memory_space<vmem>> -> memref<128xi32, #tpu.memory_space<vmem>>
        %dma_wait3A_93 = arith.constant 0 : i32
        %dma_wait3A_94 = arith.constant 0 : i32
        %dma_wait3A_95 = tpu.memref_slice %arg2[%dma_wait3A_93, %dma_wait3A_94] : memref<10240x128xf32, #tpu.memory_space<hbm>> -> memref<10240x128xf32, #tpu.memory_space<hbm>>
        tpu.wait_indirect_dma semaphore(%arg10 : memref<!tpu.dma_semaphore, #tpu.memory_space<semaphore_mem>>) src(%dma_wait3A_95 : memref<10240x128xf32, #tpu.memory_space<hbm>>) dst(%arg8 : memref<128x128xf32, #tpu.memory_space<vmem>>)
        "tpu.region"() ({
          %run_scoped3A = tpu.sem_alloc : memref<!tpu.dma_semaphore, #tpu.memory_space<semaphore_mem>>
          %dma_start3A_115 = arith.constant 0 : i32
          %dma_start3A_116 = tpu.memref_slice %arg7[%add3A_90, %dma_start3A_115] : memref<16x128xi32, #tpu.memory_space<vmem>> -> memref<1x128xi32, #tpu.memory_space<vmem>>
          %dma_start3A_117 = tpu.memref_squeeze %dma_start3A_116 : memref<1x128xi32, #tpu.memory_space<vmem>> -> memref<128xi32, #tpu.memory_space<vmem>>
          %dma_start3A_118 = arith.constant 0 : i32
          %dma_start3A_119 = arith.constant 0 : i32
          %dma_start3A_120 = tpu.memref_slice %arg12[%dma_start3A_118, %dma_start3A_119] : memref<10240x128xf32, #tpu.memory_space<vmem_shared>> -> memref<10240x128xf32, #tpu.memory_space<vmem_shared>>
          tpu.enqueue_indirect_dma source(%arg8 : memref<128x128xf32, #tpu.memory_space<vmem>>) target(%dma_start3A_120 : memref<10240x128xf32, #tpu.memory_space<vmem_shared>>) offsets(%dma_start3A_117 : memref<128xi32, #tpu.memory_space<vmem>>) semaphore(%run_scoped3A : memref<!tpu.dma_semaphore, #tpu.memory_space<semaphore_mem>>) {add = true}
          %dma_wait3A_121 = arith.constant 0 : i32
          %dma_wait3A_122 = tpu.memref_slice %arg7[%add3A_90, %dma_wait3A_121] : memref<16x128xi32, #tpu.memory_space<vmem>> -> memref<1x128xi32, #tpu.memory_space<vmem>>
          %dma_wait3A_123 = tpu.memref_squeeze %dma_wait3A_122 : memref<1x128xi32, #tpu.memory_space<vmem>> -> memref<128xi32, #tpu.memory_space<vmem>>
          %dma_wait3A_124 = arith.constant 0 : i32
          %dma_wait3A_125 = arith.constant 0 : i32
          %dma_wait3A_126 = tpu.memref_slice %arg12[%dma_wait3A_124, %dma_wait3A_125] : memref<10240x128xf32, #tpu.memory_space<vmem_shared>> -> memref<10240x128xf32, #tpu.memory_space<vmem_shared>>
          tpu.wait_indirect_dma semaphore(%run_scoped3A : memref<!tpu.dma_semaphore, #tpu.memory_space<semaphore_mem>>) src(%arg8 : memref<128x128xf32, #tpu.memory_space<vmem>>) dst(%dma_wait3A_126 : memref<10240x128xf32, #tpu.memory_space<vmem_shared>>)
          tpu.yield
        }) : () -> ()
        %add3A_96 = arith.constant 2 : i32
        %add3A_97 = arith.addi %add3A_90, %add3A_96 : i32
        %lt3A = arith.cmpi slt, %add3A_97, %select_n3A_31 : i32
        %convert_element_type3A = arith.extui %lt3A : i1 to i32
        %cond3A = arith.constant 0 : i32
        %cond3A_98 = arith.cmpi ne, %convert_element_type3A, %cond3A : i32
        scf.if %cond3A_98 {
          %add3A_115 = arith.constant 2 : i32
          %add3A_116 = arith.addi %add3A_90, %add3A_115 : i32
          %dma_start3A_117 = arith.constant 0 : i32
          %dma_start3A_118 = tpu.memref_slice %arg6[%add3A_116, %dma_start3A_117] : memref<16x128xi32, #tpu.memory_space<vmem>> -> memref<1x128xi32, #tpu.memory_space<vmem>>
          %dma_start3A_119 = tpu.memref_squeeze %dma_start3A_118 : memref<1x128xi32, #tpu.memory_space<vmem>> -> memref<128xi32, #tpu.memory_space<vmem>>
          %dma_start3A_120 = arith.constant 0 : i32
          %dma_start3A_121 = arith.constant 0 : i32
          %dma_start3A_122 = tpu.memref_slice %arg2[%dma_start3A_120, %dma_start3A_121] : memref<10240x128xf32, #tpu.memory_space<hbm>> -> memref<10240x128xf32, #tpu.memory_space<hbm>>
          tpu.enqueue_indirect_dma source(%dma_start3A_122 : memref<10240x128xf32, #tpu.memory_space<hbm>>) target(%arg8 : memref<128x128xf32, #tpu.memory_space<vmem>>) offsets(%dma_start3A_119 : memref<128xi32, #tpu.memory_space<vmem>>) semaphore(%arg10 : memref<!tpu.dma_semaphore, #tpu.memory_space<semaphore_mem>>)
        } else {
        }
        %mul3A_99 = arith.constant 2 : i32
        %mul3A_100 = arith.muli %while3A_86, %mul3A_99 : i32
        %add3A_101 = arith.constant 1 : i32
        %add3A_102 = arith.addi %mul3A_100, %add3A_101 : i32
        %dma_wait3A_103 = arith.constant 0 : i32
        %dma_wait3A_104 = tpu.memref_slice %arg6[%add3A_102, %dma_wait3A_103] : memref<16x128xi32, #tpu.memory_space<vmem>> -> memref<1x128xi32, #tpu.memory_space<vmem>>
        %dma_wait3A_105 = tpu.memref_squeeze %dma_wait3A_104 : memref<1x128xi32, #tpu.memory_space<vmem>> -> memref<128xi32, #tpu.memory_space<vmem>>
        %dma_wait3A_106 = arith.constant 0 : i32
        %dma_wait3A_107 = arith.constant 0 : i32
        %dma_wait3A_108 = tpu.memref_slice %arg2[%dma_wait3A_106, %dma_wait3A_107] : memref<10240x128xf32, #tpu.memory_space<hbm>> -> memref<10240x128xf32, #tpu.memory_space<hbm>>
        tpu.wait_indirect_dma semaphore(%arg11 : memref<!tpu.dma_semaphore, #tpu.memory_space<semaphore_mem>>) src(%dma_wait3A_108 : memref<10240x128xf32, #tpu.memory_space<hbm>>) dst(%arg9 : memref<128x128xf32, #tpu.memory_space<vmem>>)
        "tpu.region"() ({
          %run_scoped3A = tpu.sem_alloc : memref<!tpu.dma_semaphore, #tpu.memory_space<semaphore_mem>>
          %dma_start3A_115 = arith.constant 0 : i32
          %dma_start3A_116 = tpu.memref_slice %arg7[%add3A_102, %dma_start3A_115] : memref<16x128xi32, #tpu.memory_space<vmem>> -> memref<1x128xi32, #tpu.memory_space<vmem>>
          %dma_start3A_117 = tpu.memref_squeeze %dma_start3A_116 : memref<1x128xi32, #tpu.memory_space<vmem>> -> memref<128xi32, #tpu.memory_space<vmem>>
          %dma_start3A_118 = arith.constant 0 : i32
          %dma_start3A_119 = arith.constant 0 : i32
          %dma_start3A_120 = tpu.memref_slice %arg12[%dma_start3A_118, %dma_start3A_119] : memref<10240x128xf32, #tpu.memory_space<vmem_shared>> -> memref<10240x128xf32, #tpu.memory_space<vmem_shared>>
          tpu.enqueue_indirect_dma source(%arg9 : memref<128x128xf32, #tpu.memory_space<vmem>>) target(%dma_start3A_120 : memref<10240x128xf32, #tpu.memory_space<vmem_shared>>) offsets(%dma_start3A_117 : memref<128xi32, #tpu.memory_space<vmem>>) semaphore(%run_scoped3A : memref<!tpu.dma_semaphore, #tpu.memory_space<semaphore_mem>>) {add = true}
          %dma_wait3A_121 = arith.constant 0 : i32
          %dma_wait3A_122 = tpu.memref_slice %arg7[%add3A_102, %dma_wait3A_121] : memref<16x128xi32, #tpu.memory_space<vmem>> -> memref<1x128xi32, #tpu.memory_space<vmem>>
          %dma_wait3A_123 = tpu.memref_squeeze %dma_wait3A_122 : memref<1x128xi32, #tpu.memory_space<vmem>> -> memref<128xi32, #tpu.memory_space<vmem>>
          %dma_wait3A_124 = arith.constant 0 : i32
          %dma_wait3A_125 = arith.constant 0 : i32
          %dma_wait3A_126 = tpu.memref_slice %arg12[%dma_wait3A_124, %dma_wait3A_125] : memref<10240x128xf32, #tpu.memory_space<vmem_shared>> -> memref<10240x128xf32, #tpu.memory_space<vmem_shared>>
          tpu.wait_indirect_dma semaphore(%run_scoped3A : memref<!tpu.dma_semaphore, #tpu.memory_space<semaphore_mem>>) src(%arg9 : memref<128x128xf32, #tpu.memory_space<vmem>>) dst(%dma_wait3A_126 : memref<10240x128xf32, #tpu.memory_space<vmem_shared>>)
          tpu.yield
        }) : () -> ()
        %add3A_109 = arith.constant 2 : i32
        %add3A_110 = arith.addi %add3A_102, %add3A_109 : i32
        %lt3A_111 = arith.cmpi slt, %add3A_110, %select_n3A_31 : i32
        %convert_element_type3A_112 = arith.extui %lt3A_111 : i1 to i32
        %cond3A_113 = arith.constant 0 : i32
        %cond3A_114 = arith.cmpi ne, %convert_element_type3A_112, %cond3A_113 : i32
        scf.if %cond3A_114 {
          %add3A_115 = arith.constant 2 : i32
          %add3A_116 = arith.addi %add3A_102, %add3A_115 : i32
          %dma_start3A_117 = arith.constant 0 : i32
          %dma_start3A_118 = tpu.memref_slice %arg6[%add3A_116, %dma_start3A_117] : memref<16x128xi32, #tpu.memory_space<vmem>> -> memref<1x128xi32, #tpu.memory_space<vmem>>
          %dma_start3A_119 = tpu.memref_squeeze %dma_start3A_118 : memref<1x128xi32, #tpu.memory_space<vmem>> -> memref<128xi32, #tpu.memory_space<vmem>>
          %dma_start3A_120 = arith.constant 0 : i32
          %dma_start3A_121 = arith.constant 0 : i32
          %dma_start3A_122 = tpu.memref_slice %arg2[%dma_start3A_120, %dma_start3A_121] : memref<10240x128xf32, #tpu.memory_space<hbm>> -> memref<10240x128xf32, #tpu.memory_space<hbm>>
          tpu.enqueue_indirect_dma source(%dma_start3A_122 : memref<10240x128xf32, #tpu.memory_space<hbm>>) target(%arg9 : memref<128x128xf32, #tpu.memory_space<vmem>>) offsets(%dma_start3A_119 : memref<128xi32, #tpu.memory_space<vmem>>) semaphore(%arg11 : memref<!tpu.dma_semaphore, #tpu.memory_space<semaphore_mem>>)
        } else {
        }
      }
      %while3A_85 = arith.constant 1 : i32
      scf.for %while3A_86 = %while3A_83 to %while3A_79 step %while3A_85  : i32 {
        %mul3A_87 = arith.constant 2 : i32
        %mul3A_88 = arith.muli %while3A_86, %mul3A_87 : i32
        %add3A_89 = arith.constant 0 : i32
        %add3A_90 = arith.addi %mul3A_88, %add3A_89 : i32
        %dma_wait3A = arith.constant 0 : i32
        %dma_wait3A_91 = tpu.memref_slice %arg6[%add3A_90, %dma_wait3A] : memref<16x128xi32, #tpu.memory_space<vmem>> -> memref<1x128xi32, #tpu.memory_space<vmem>>
        %dma_wait3A_92 = tpu.memref_squeeze %dma_wait3A_91 : memref<1x128xi32, #tpu.memory_space<vmem>> -> memref<128xi32, #tpu.memory_space<vmem>>
        %dma_wait3A_93 = arith.constant 0 : i32
        %dma_wait3A_94 = arith.constant 0 : i32
        %dma_wait3A_95 = tpu.memref_slice %arg2[%dma_wait3A_93, %dma_wait3A_94] : memref<10240x128xf32, #tpu.memory_space<hbm>> -> memref<10240x128xf32, #tpu.memory_space<hbm>>
        tpu.wait_indirect_dma semaphore(%arg10 : memref<!tpu.dma_semaphore, #tpu.memory_space<semaphore_mem>>) src(%dma_wait3A_95 : memref<10240x128xf32, #tpu.memory_space<hbm>>) dst(%arg8 : memref<128x128xf32, #tpu.memory_space<vmem>>)
        "tpu.region"() ({
          %run_scoped3A = tpu.sem_alloc : memref<!tpu.dma_semaphore, #tpu.memory_space<semaphore_mem>>
          %dma_start3A_115 = arith.constant 0 : i32
          %dma_start3A_116 = tpu.memref_slice %arg7[%add3A_90, %dma_start3A_115] : memref<16x128xi32, #tpu.memory_space<vmem>> -> memref<1x128xi32, #tpu.memory_space<vmem>>
          %dma_start3A_117 = tpu.memref_squeeze %dma_start3A_116 : memref<1x128xi32, #tpu.memory_space<vmem>> -> memref<128xi32, #tpu.memory_space<vmem>>
          %dma_start3A_118 = arith.constant 0 : i32
          %dma_start3A_119 = arith.constant 0 : i32
          %dma_start3A_120 = tpu.memref_slice %arg12[%dma_start3A_118, %dma_start3A_119] : memref<10240x128xf32, #tpu.memory_space<vmem_shared>> -> memref<10240x128xf32, #tpu.memory_space<vmem_shared>>
          tpu.enqueue_indirect_dma source(%arg8 : memref<128x128xf32, #tpu.memory_space<vmem>>) target(%dma_start3A_120 : memref<10240x128xf32, #tpu.memory_space<vmem_shared>>) offsets(%dma_start3A_117 : memref<128xi32, #tpu.memory_space<vmem>>) semaphore(%run_scoped3A : memref<!tpu.dma_semaphore, #tpu.memory_space<semaphore_mem>>) {add = true}
          %dma_wait3A_121 = arith.constant 0 : i32
          %dma_wait3A_122 = tpu.memref_slice %arg7[%add3A_90, %dma_wait3A_121] : memref<16x128xi32, #tpu.memory_space<vmem>> -> memref<1x128xi32, #tpu.memory_space<vmem>>
          %dma_wait3A_123 = tpu.memref_squeeze %dma_wait3A_122 : memref<1x128xi32, #tpu.memory_space<vmem>> -> memref<128xi32, #tpu.memory_space<vmem>>
          %dma_wait3A_124 = arith.constant 0 : i32
          %dma_wait3A_125 = arith.constant 0 : i32
          %dma_wait3A_126 = tpu.memref_slice %arg12[%dma_wait3A_124, %dma_wait3A_125] : memref<10240x128xf32, #tpu.memory_space<vmem_shared>> -> memref<10240x128xf32, #tpu.memory_space<vmem_shared>>
          tpu.wait_indirect_dma semaphore(%run_scoped3A : memref<!tpu.dma_semaphore, #tpu.memory_space<semaphore_mem>>) src(%arg8 : memref<128x128xf32, #tpu.memory_space<vmem>>) dst(%dma_wait3A_126 : memref<10240x128xf32, #tpu.memory_space<vmem_shared>>)
          tpu.yield
        }) : () -> ()
        %add3A_96 = arith.constant 2 : i32
        %add3A_97 = arith.addi %add3A_90, %add3A_96 : i32
        %lt3A = arith.cmpi slt, %add3A_97, %select_n3A_31 : i32
        %convert_element_type3A = arith.extui %lt3A : i1 to i32
        %cond3A = arith.constant 0 : i32
        %cond3A_98 = arith.cmpi ne, %convert_element_type3A, %cond3A : i32
        scf.if %cond3A_98 {
          %add3A_115 = arith.constant 2 : i32
          %add3A_116 = arith.addi %add3A_90, %add3A_115 : i32
          %dma_start3A_117 = arith.constant 0 : i32
          %dma_start3A_118 = tpu.memref_slice %arg6[%add3A_116, %dma_start3A_117] : memref<16x128xi32, #tpu.memory_space<vmem>> -> memref<1x128xi32, #tpu.memory_space<vmem>>
          %dma_start3A_119 = tpu.memref_squeeze %dma_start3A_118 : memref<1x128xi32, #tpu.memory_space<vmem>> -> memref<128xi32, #tpu.memory_space<vmem>>
          %dma_start3A_120 = arith.constant 0 : i32
          %dma_start3A_121 = arith.constant 0 : i32
          %dma_start3A_122 = tpu.memref_slice %arg2[%dma_start3A_120, %dma_start3A_121] : memref<10240x128xf32, #tpu.memory_space<hbm>> -> memref<10240x128xf32, #tpu.memory_space<hbm>>
          tpu.enqueue_indirect_dma source(%dma_start3A_122 : memref<10240x128xf32, #tpu.memory_space<hbm>>) target(%arg8 : memref<128x128xf32, #tpu.memory_space<vmem>>) offsets(%dma_start3A_119 : memref<128xi32, #tpu.memory_space<vmem>>) semaphore(%arg10 : memref<!tpu.dma_semaphore, #tpu.memory_space<semaphore_mem>>)
        } else {
        }
        %mul3A_99 = arith.constant 2 : i32
        %mul3A_100 = arith.muli %while3A_86, %mul3A_99 : i32
        %add3A_101 = arith.constant 1 : i32
        %add3A_102 = arith.addi %mul3A_100, %add3A_101 : i32
        %dma_wait3A_103 = arith.constant 0 : i32
        %dma_wait3A_104 = tpu.memref_slice %arg6[%add3A_102, %dma_wait3A_103] : memref<16x128xi32, #tpu.memory_space<vmem>> -> memref<1x128xi32, #tpu.memory_space<vmem>>
        %dma_wait3A_105 = tpu.memref_squeeze %dma_wait3A_104 : memref<1x128xi32, #tpu.memory_space<vmem>> -> memref<128xi32, #tpu.memory_space<vmem>>
        %dma_wait3A_106 = arith.constant 0 : i32
        %dma_wait3A_107 = arith.constant 0 : i32
        %dma_wait3A_108 = tpu.memref_slice %arg2[%dma_wait3A_106, %dma_wait3A_107] : memref<10240x128xf32, #tpu.memory_space<hbm>> -> memref<10240x128xf32, #tpu.memory_space<hbm>>
        tpu.wait_indirect_dma semaphore(%arg11 : memref<!tpu.dma_semaphore, #tpu.memory_space<semaphore_mem>>) src(%dma_wait3A_108 : memref<10240x128xf32, #tpu.memory_space<hbm>>) dst(%arg9 : memref<128x128xf32, #tpu.memory_space<vmem>>)
        "tpu.region"() ({
          %run_scoped3A = tpu.sem_alloc : memref<!tpu.dma_semaphore, #tpu.memory_space<semaphore_mem>>
          %dma_start3A_115 = arith.constant 0 : i32
          %dma_start3A_116 = tpu.memref_slice %arg7[%add3A_102, %dma_start3A_115] : memref<16x128xi32, #tpu.memory_space<vmem>> -> memref<1x128xi32, #tpu.memory_space<vmem>>
          %dma_start3A_117 = tpu.memref_squeeze %dma_start3A_116 : memref<1x128xi32, #tpu.memory_space<vmem>> -> memref<128xi32, #tpu.memory_space<vmem>>
          %dma_start3A_118 = arith.constant 0 : i32
          %dma_start3A_119 = arith.constant 0 : i32
          %dma_start3A_120 = tpu.memref_slice %arg12[%dma_start3A_118, %dma_start3A_119] : memref<10240x128xf32, #tpu.memory_space<vmem_shared>> -> memref<10240x128xf32, #tpu.memory_space<vmem_shared>>
          tpu.enqueue_indirect_dma source(%arg9 : memref<128x128xf32, #tpu.memory_space<vmem>>) target(%dma_start3A_120 : memref<10240x128xf32, #tpu.memory_space<vmem_shared>>) offsets(%dma_start3A_117 : memref<128xi32, #tpu.memory_space<vmem>>) semaphore(%run_scoped3A : memref<!tpu.dma_semaphore, #tpu.memory_space<semaphore_mem>>) {add = true}
          %dma_wait3A_121 = arith.constant 0 : i32
          %dma_wait3A_122 = tpu.memref_slice %arg7[%add3A_102, %dma_wait3A_121] : memref<16x128xi32, #tpu.memory_space<vmem>> -> memref<1x128xi32, #tpu.memory_space<vmem>>
          %dma_wait3A_123 = tpu.memref_squeeze %dma_wait3A_122 : memref<1x128xi32, #tpu.memory_space<vmem>> -> memref<128xi32, #tpu.memory_space<vmem>>
          %dma_wait3A_124 = arith.constant 0 : i32
          %dma_wait3A_125 = arith.constant 0 : i32
          %dma_wait3A_126 = tpu.memref_slice %arg12[%dma_wait3A_124, %dma_wait3A_125] : memref<10240x128xf32, #tpu.memory_space<vmem_shared>> -> memref<10240x128xf32, #tpu.memory_space<vmem_shared>>
          tpu.wait_indirect_dma semaphore(%run_scoped3A : memref<!tpu.dma_semaphore, #tpu.memory_space<semaphore_mem>>) src(%arg9 : memref<128x128xf32, #tpu.memory_space<vmem>>) dst(%dma_wait3A_126 : memref<10240x128xf32, #tpu.memory_space<vmem_shared>>)
          tpu.yield
        }) : () -> ()
        %add3A_109 = arith.constant 2 : i32
        %add3A_110 = arith.addi %add3A_102, %add3A_109 : i32
        %lt3A_111 = arith.cmpi slt, %add3A_110, %select_n3A_31 : i32
        %convert_element_type3A_112 = arith.extui %lt3A_111 : i1 to i32
        %cond3A_113 = arith.constant 0 : i32
        %cond3A_114 = arith.cmpi ne, %convert_element_type3A_112, %cond3A_113 : i32
        scf.if %cond3A_114 {
          %add3A_115 = arith.constant 2 : i32
          %add3A_116 = arith.addi %add3A_102, %add3A_115 : i32
          %dma_start3A_117 = arith.constant 0 : i32
          %dma_start3A_118 = tpu.memref_slice %arg6[%add3A_116, %dma_start3A_117] : memref<16x128xi32, #tpu.memory_space<vmem>> -> memref<1x128xi32, #tpu.memory_space<vmem>>
          %dma_start3A_119 = tpu.memref_squeeze %dma_start3A_118 : memref<1x128xi32, #tpu.memory_space<vmem>> -> memref<128xi32, #tpu.memory_space<vmem>>
          %dma_start3A_120 = arith.constant 0 : i32
          %dma_start3A_121 = arith.constant 0 : i32
          %dma_start3A_122 = tpu.memref_slice %arg2[%dma_start3A_120, %dma_start3A_121] : memref<10240x128xf32, #tpu.memory_space<hbm>> -> memref<10240x128xf32, #tpu.memory_space<hbm>>
          tpu.enqueue_indirect_dma source(%dma_start3A_122 : memref<10240x128xf32, #tpu.memory_space<hbm>>) target(%arg9 : memref<128x128xf32, #tpu.memory_space<vmem>>) offsets(%dma_start3A_119 : memref<128xi32, #tpu.memory_space<vmem>>) semaphore(%arg11 : memref<!tpu.dma_semaphore, #tpu.memory_space<semaphore_mem>>)
        } else {
        }
      }
    }
    %barrier3A_41 = arith.constant 0 : index
    tpu.barrier barrier_id(%barrier3A_41)
    "tpu.region"() ({
      %run_scoped3A = tpu.sem_alloc : memref<!tpu.dma_semaphore, #tpu.memory_space<semaphore_mem>>
      %dma_start3A = arith.constant 0 : i32
      %dma_start3A_42 = tpu.memref_slice %arg5[%arg0, %mul3A_5, %dma_start3A] : memref<2x10240x128xf32, #tpu.memory_space<hbm>> -> memref<1x640x128xf32, #tpu.memory_space<hbm>>
      %dma_start3A_43 = tpu.memref_squeeze %dma_start3A_42 : memref<1x640x128xf32, #tpu.memory_space<hbm>> -> memref<640x128xf32, #tpu.memory_space<hbm>>
      %dma_start3A_44 = arith.constant 0 : i32
      %dma_start3A_45 = tpu.memref_slice %arg12[%mul3A_5, %dma_start3A_44] : memref<10240x128xf32, #tpu.memory_space<vmem_shared>> -> memref<640x128xf32, #tpu.memory_space<vmem_shared>>
      tpu.enqueue_dma source(%dma_start3A_45 : memref<640x128xf32, #tpu.memory_space<vmem_shared>>) target(%dma_start3A_43 : memref<640x128xf32, #tpu.memory_space<hbm>>) target_semaphore(%run_scoped3A : memref<!tpu.dma_semaphore, #tpu.memory_space<semaphore_mem>>)
      %dma_wait3A = arith.constant 0 : i32
      %dma_wait3A_46 = tpu.memref_slice %arg5[%arg0, %mul3A_5, %dma_wait3A] : memref<2x10240x128xf32, #tpu.memory_space<hbm>> -> memref<1x640x128xf32, #tpu.memory_space<hbm>>
      %dma_wait3A_47 = tpu.memref_squeeze %dma_wait3A_46 : memref<1x640x128xf32, #tpu.memory_space<hbm>> -> memref<640x128xf32, #tpu.memory_space<hbm>>
      %dma_wait3A_48 = arith.constant 0 : i32
      %dma_wait3A_49 = tpu.memref_slice %arg12[%mul3A_5, %dma_wait3A_48] : memref<10240x128xf32, #tpu.memory_space<vmem_shared>> -> memref<640x128xf32, #tpu.memory_space<vmem_shared>>
      tpu.wait_dma2 semaphore(%run_scoped3A : memref<!tpu.dma_semaphore, #tpu.memory_space<semaphore_mem>>) src(%dma_wait3A_49 : memref<640x128xf32, #tpu.memory_space<vmem_shared>>) dst(%dma_wait3A_47 : memref<640x128xf32, #tpu.memory_space<hbm>>)
      tpu.yield
    }) : () -> ()
    return
  }
}

module attributes {stable_mosaic.version = 14 : i64} {
  func.func @_tc1_body(%arg0: memref<10000x128xf32, #tpu.memory_space<vmem>>, %arg1: memref<1x128xf32, #tpu.memory_space<vmem>>, %arg2: memref<1x128xf32, #tpu.memory_space<vmem>>, %arg3: memref<128x128xf32, #tpu.memory_space<vmem>>, %arg4: memref<2x10240x1xf32, #tpu.memory_space<vmem>>, %arg5: memref<10240x128xf32, #tpu.memory_space<vmem>>, %arg6: memref<10240x1xf32, #tpu.memory_space<vmem>>) attributes {dimension_semantics = [], scalar_prefetch = 0 : i64, scratch_operands = 0 : i64, tpu.core_type = #tpu.core_type<tc>} {
    %get3A = arith.constant 0 : index
    %get3A_0 = arith.constant 0 : index
    %get3A_1 = vector.load %arg0[%get3A, %get3A_0] : memref<10000x128xf32, #tpu.memory_space<vmem>>, vector<10000x128xf32>
    %reduce_sum3A = arith.constant dense<0.000000e+00> : vector<128xf32>
    %reduce_sum3A_2 = vector.multi_reduction <add>, %get3A_1, %reduce_sum3A [0] : vector<10000x128xf32> to vector<128xf32>
    %broadcast_in_dim3A = vector.shape_cast %reduce_sum3A_2 : vector<128xf32> to vector<1x128xf32>
    %div3A = arith.constant 1.000000e+04 : f32
    %div3A_3 = vector.broadcast %div3A : f32 to vector<1x128xf32>
    %div3A_4 = arith.divf %broadcast_in_dim3A, %div3A_3 : vector<1x128xf32>
    %sub3A = vector.broadcast %div3A_4 : vector<1x128xf32> to vector<10000x128xf32>
    %sub3A_5 = arith.subf %get3A_1, %sub3A : vector<10000x128xf32>
    %mul3A = arith.mulf %sub3A_5, %sub3A_5 : vector<10000x128xf32>
    %reduce_sum3A_6 = arith.constant dense<0.000000e+00> : vector<128xf32>
    %reduce_sum3A_7 = vector.multi_reduction <add>, %mul3A, %reduce_sum3A_6 [0] : vector<10000x128xf32> to vector<128xf32>
    %broadcast_in_dim3A_8 = vector.shape_cast %reduce_sum3A_7 : vector<128xf32> to vector<1x128xf32>
    %div3A_9 = arith.constant 1.000000e+04 : f32
    %div3A_10 = vector.broadcast %div3A_9 : f32 to vector<1x128xf32>
    %div3A_11 = arith.divf %broadcast_in_dim3A_8, %div3A_10 : vector<1x128xf32>
    %add3A = arith.constant 9.99999974E-6 : f32
    %add3A_12 = vector.broadcast %add3A : f32 to vector<1x128xf32>
    %add3A_13 = arith.addf %div3A_11, %add3A_12 : vector<1x128xf32>
    %rsqrt3A = math.rsqrt %add3A_13 : vector<1x128xf32>
    %mul3A_14 = vector.broadcast %rsqrt3A : vector<1x128xf32> to vector<10000x128xf32>
    %mul3A_15 = arith.mulf %sub3A_5, %mul3A_14 : vector<10000x128xf32>
    %get3A_16 = arith.constant 0 : index
    %get3A_17 = arith.constant 0 : index
    %get3A_18 = vector.load %arg1[%get3A_16, %get3A_17] : memref<1x128xf32, #tpu.memory_space<vmem>>, vector<1x128xf32>
    %mul3A_19 = vector.broadcast %get3A_18 : vector<1x128xf32> to vector<10000x128xf32>
    %mul3A_20 = arith.mulf %mul3A_15, %mul3A_19 : vector<10000x128xf32>
    %get3A_21 = arith.constant 0 : index
    %get3A_22 = arith.constant 0 : index
    %get3A_23 = vector.load %arg2[%get3A_21, %get3A_22] : memref<1x128xf32, #tpu.memory_space<vmem>>, vector<1x128xf32>
    %add3A_24 = vector.broadcast %get3A_23 : vector<1x128xf32> to vector<10000x128xf32>
    %add3A_25 = arith.addf %mul3A_20, %add3A_24 : vector<10000x128xf32>
    %get3A_26 = arith.constant 0 : index
    %get3A_27 = arith.constant 0 : index
    %get3A_28 = vector.load %arg3[%get3A_26, %get3A_27] : memref<128x128xf32, #tpu.memory_space<vmem>>, vector<128x128xf32>
    %dot_general3A = arith.constant dense<0.000000e+00> : vector<10000x128xf32>
    %dot_general3A_29 = tpu.matmul %add3A_25, %get3A_28, %dot_general3A {dimension_numbers = #tpu.dot_dimension_numbers<[1], [0], [0], [1], [0, 0, 1, 1], [], []>, transpose_lhs_hint = false} : vector<10000x128xf32>, vector<128x128xf32>, vector<10000x128xf32> -> vector<10000x128xf32>
    %get3A_30 = arith.constant 0 : index
    %get3A_31 = arith.constant 0 : index
    %get3A_32 = arith.constant 0 : index
    %get3A_33 = vector.load %arg4[%get3A_30, %get3A_31, %get3A_32] : memref<2x10240x1xf32, #tpu.memory_space<vmem>>, vector<1x10240x1xf32>
    %get3A_34 = vector.shape_cast %get3A_33 : vector<1x10240x1xf32> to vector<10240x1xf32>
    %get3A_35 = arith.constant 1 : index
    %get3A_36 = arith.constant 0 : index
    %get3A_37 = arith.constant 0 : index
    %get3A_38 = vector.load %arg4[%get3A_35, %get3A_36, %get3A_37] : memref<2x10240x1xf32, #tpu.memory_space<vmem>>, vector<1x10240x1xf32>
    %get3A_39 = vector.shape_cast %get3A_38 : vector<1x10240x1xf32> to vector<10240x1xf32>
    %add3A_40 = arith.addf %get3A_34, %get3A_39 : vector<10240x1xf32>
    %add3A_41 = arith.constant 1.000000e+00 : f32
    %add3A_42 = vector.broadcast %add3A_41 : f32 to vector<10240x1xf32>
    %add3A_43 = arith.addf %add3A_40, %add3A_42 : vector<10240x1xf32>
    %rsqrt3A_44 = math.rsqrt %add3A_43 : vector<10240x1xf32>
    %swap3A = arith.constant 0 : index
    %swap3A_45 = arith.constant 0 : index
    %swap3A_46 = vector.load %arg6[%swap3A, %swap3A_45] : memref<10240x1xf32, #tpu.memory_space<vmem>>, vector<10240x1xf32>
    tpu.vector_store %arg6[%swap3A, %swap3A_45], %rsqrt3A_44 {strides = array<i32>} : memref<10240x1xf32, #tpu.memory_space<vmem>>, vector<10240x1xf32>,
    %slice3A = vector.extract_strided_slice %rsqrt3A_44 {offsets = [0, 0], sizes = [10000, 1], strides = [1, 1]} : vector<10240x1xf32> to vector<10000x1xf32>
    %mul3A_47 = vector.broadcast %slice3A : vector<10000x1xf32> to vector<10000x128xf32>
    %mul3A_48 = arith.mulf %dot_general3A_29, %mul3A_47 : vector<10000x128xf32>
    %swap3A_49 = arith.constant 0 : index
    %swap3A_50 = arith.constant 0 : index
    %swap3A_51 = vector.load %arg5[%swap3A_49, %swap3A_50] : memref<10240x128xf32, #tpu.memory_space<vmem>>, vector<10000x128xf32>
    tpu.vector_store %arg5[%swap3A_49, %swap3A_50], %mul3A_48 {strides = array<i32>} : memref<10240x128xf32, #tpu.memory_space<vmem>>, vector<10000x128xf32>,
    %broadcast_in_dim3A_52 = arith.constant 0.000000e+00 : f32
    %broadcast_in_dim3A_53 = vector.broadcast %broadcast_in_dim3A_52 : f32 to vector<240x128xf32>
    %swap3A_54 = arith.constant 10000 : index
    %swap3A_55 = arith.constant 0 : index
    %swap3A_56 = vector.load %arg5[%swap3A_54, %swap3A_55] : memref<10240x128xf32, #tpu.memory_space<vmem>>, vector<240x128xf32>
    tpu.vector_store %arg5[%swap3A_54, %swap3A_55], %broadcast_in_dim3A_53 {strides = array<i32>} : memref<10240x128xf32, #tpu.memory_space<vmem>>, vector<240x128xf32>,
    return
  }
}

module attributes {stable_mosaic.version = 14 : i64} {
  func.func @_tc2_body(%arg0: memref<10000x128xf32, #tpu.memory_space<vmem>>, %arg1: memref<2x10240x128xf32, #tpu.memory_space<vmem>>, %arg2: memref<10240x128xf32, #tpu.memory_space<vmem>>, %arg3: memref<10240x1xf32, #tpu.memory_space<vmem>>, %arg4: memref<1x128xf32, #tpu.memory_space<vmem>>, %arg5: memref<10000x128xf32, #tpu.memory_space<vmem>>) attributes {dimension_semantics = [], scalar_prefetch = 0 : i64, scratch_operands = 0 : i64, tpu.core_type = #tpu.core_type<tc>} {
    %get3A = arith.constant 0 : index
    %get3A_0 = arith.constant 0 : index
    %get3A_1 = arith.constant 0 : index
    %get3A_2 = vector.load %arg1[%get3A, %get3A_0, %get3A_1] : memref<2x10240x128xf32, #tpu.memory_space<vmem>>, vector<1x10000x128xf32>
    %get3A_3 = vector.shape_cast %get3A_2 : vector<1x10000x128xf32> to vector<10000x128xf32>
    %get3A_4 = arith.constant 1 : index
    %get3A_5 = arith.constant 0 : index
    %get3A_6 = arith.constant 0 : index
    %get3A_7 = vector.load %arg1[%get3A_4, %get3A_5, %get3A_6] : memref<2x10240x128xf32, #tpu.memory_space<vmem>>, vector<1x10000x128xf32>
    %get3A_8 = vector.shape_cast %get3A_7 : vector<1x10000x128xf32> to vector<10000x128xf32>
    %add3A = arith.addf %get3A_3, %get3A_8 : vector<10000x128xf32>
    %get3A_9 = arith.constant 0 : index
    %get3A_10 = arith.constant 0 : index
    %get3A_11 = vector.load %arg2[%get3A_9, %get3A_10] : memref<10240x128xf32, #tpu.memory_space<vmem>>, vector<10000x128xf32>
    %add3A_12 = arith.addf %add3A, %get3A_11 : vector<10000x128xf32>
    %get3A_13 = arith.constant 0 : index
    %get3A_14 = arith.constant 0 : index
    %get3A_15 = vector.load %arg3[%get3A_13, %get3A_14] : memref<10240x1xf32, #tpu.memory_space<vmem>>, vector<10000x1xf32>
    %mul3A = vector.broadcast %get3A_15 : vector<10000x1xf32> to vector<10000x128xf32>
    %mul3A_16 = arith.mulf %add3A_12, %mul3A : vector<10000x128xf32>
    %get3A_17 = arith.constant 0 : index
    %get3A_18 = arith.constant 0 : index
    %get3A_19 = vector.load %arg4[%get3A_17, %get3A_18] : memref<1x128xf32, #tpu.memory_space<vmem>>, vector<1x128xf32>
    %add3A_20 = vector.broadcast %get3A_19 : vector<1x128xf32> to vector<10000x128xf32>
    %add3A_21 = arith.addf %mul3A_16, %add3A_20 : vector<10000x128xf32>
    %get3A_22 = arith.constant 0 : index
    %get3A_23 = arith.constant 0 : index
    %get3A_24 = vector.load %arg0[%get3A_22, %get3A_23] : memref<10000x128xf32, #tpu.memory_space<vmem>>, vector<10000x128xf32>
    %max3A = arith.constant 0.000000e+00 : f32
    %max3A_25 = vector.broadcast %max3A : f32 to vector<10000x128xf32>
    %max3A_26 = arith.maximumf %add3A_21, %max3A_25 : vector<10000x128xf32>
    %add3A_27 = arith.addf %get3A_24, %max3A_26 : vector<10000x128xf32>
    %swap3A = arith.constant 0 : index
    %swap3A_28 = arith.constant 0 : index
    %swap3A_29 = vector.load %arg5[%swap3A, %swap3A_28] : memref<10000x128xf32, #tpu.memory_space<vmem>>, vector<10000x128xf32>
    tpu.vector_store %arg5[%swap3A, %swap3A_28], %add3A_27 {strides = array<i32>} : memref<10000x128xf32, #tpu.memory_space<vmem>>, vector<10000x128xf32>,
    return
  }
}

</mosaic_0001>

<sc_bundles>
// kernel: kernel.6.cloned.1.call-start
scs
__scs_entry_jumppad:
0x0: {  	(pc) =	sbr.rel $0x88, $3  }
0x1: {  	(tag) =	ssettag $0x0;
	lr =	simm.s32 $0x1  }
0x2: {  	[smem:$0x3F9B] =	sst lr;
	_ =	strace $0xD0000000  }
0x3: {  	_ = 	snop  }
0x4: {  	_ = 	snop  }
0x5: {  	_ = 	snop  }
0x6: {  	_ = 	snop  }
0x7: {  	_ = 	snop  }
__scs_overlays_trampoline_lowered:
0x8: {  	[smem:$0x3FAA] =	sst s0  }
0x9: {  	[smem:$0x3FAB] =	sst s1  }
0xa: {  	[smem:$0x3FAC] =	sst s2  }
0xb: {  	[smem:$0x3FAD] =	sst s3  }
0xc: {  	[smem:$0x3FAE] =	sst s4  }
0xd: {  	[smem:$0x3FAF] =	sst s5  }
0xe: {  	[smem:$0x3FB0] =	sst s6  }
0xf: {  	[smem:$0x3FB1] =	sst s7  }
0x10: {  	[smem:$0x3FB2] =	sst s8  }
0x11: {  	[smem:$0x3FB3] =	sst s9;
	s0 =	simm.s32 @!p0 $0x0  }
0x12: {  	s1 =	sld [smem:$0x3F99];
	s0 =	simm.s32 @p0 $0x1  }
0x13: {  	[smem:$0x3FB4] =	sst s0;
	s0 =	simm.s32 @!p1 $0x0  }
0x14: {  	s2 =	sld [smem:$0x3F98];
	s0 =	simm.s32 @p1 $0x1  }
0x15: {  	[smem:$0x3FB5] =	sst s0;
	s0 =	simm.s32 @!p2 $0x0  }
0x16: {  	s3 =	sld [smem:$0x3FDB];
	s0 =	simm.s32 @p2 $0x1  }
0x17: {  	s4 =	simm.s32 $0x1BF5;
	[smem:$0x3FB7] =	sst s0  }
0x18: {  	s0 =	sld [smem:$0x3F9A];
	_ =	swait.ge [sflag:s4], $0x0  }
0x19: {  	s7 =	sld [smem:$0x3F9B]  }
0x1a: {  	s8 =	sadd.s32 $0xFFFFE003, lr  }
0x1b: {  	s9 =	sadd.s32 $0xFFFFFEF7, lr;
	s5 =	simm.s32 $0xFFFFFFFF;
	p2 =	slt.u32 s8, $0xFFFFF086  }
0x1c: {  	p1 =	slt.u32 s9, $0xF7A;
	s5 =	simm.s32 @!p2 $0x0  }
0x1d: {  	s5 =	simm.s32 @p1 $0x1;
	p0 =	seq.s32 s7, s2  }
0x1e: {  	s7 =	smul.u32 @!p0 $0xF7A, s2;
	p2 =	seq.s32 @!p0 s5, $0x0  }
0x1f: {  	s9 =	smul.u32 $0xF7A, s1;
	s8 =	simm.s32 @!p0 $0x1BF5;
	p2 =	por !p2, p0  }
0x20: {  	[sflag:s8] =	ssyncset.s32 @!p0 $0xFFFFF086;
	s6 =	sadd.s32 @!p0 s3, s7;
	s7 =	simm.s32 @!p0 $0x108  }
0x21: {  	s3 =	sadd.s32 s3, s9;
	s6 =	sadd.s32 @!p0 $0x88, s6;
	s7 =	simm.s32 @p2 $0x1082  }
0x22: {  	[simem:s7], [sflag:s8] =	dma.local @!p0 [hbm:s6], $0xF7A  }
0x23: {  	s9 =	sor.u32 $0xD0000000, s2;
	s6 =	simm.s32 $0x108;
	_ =	swait.ge @!p0 [sflag:s8], $0x0  }
0x24: {  	s3 =	sadd.s32 $0x88, s3;
	s6 =	simm.s32 @!p1 $0x1082;
	[sflag:s4] =	ssyncset.s32 $0xFFFFF086  }
0x25: {  	[simem:s6], [sflag:s4] =	dma.local [hbm:s3], $0xF7A  }
0x26: {  	[smem:$0x3F9B] =	sst s1;
	(tag) =	ssettag s2;
	_ =	strace s9  }
0x27: {  	s1 =	sld [smem:$0x3FAB]  }
0x28: {  	s2 =	sld [smem:$0x3FAC]  }
0x29: {  	s4 =	sld [smem:$0x3FAE]  }
0x2a: {  	p0 =	seq.s32 s5, $0x0;
	s5 =	sld [smem:$0x3FAF]  }
0x2b: {  	s6 =	sld [smem:$0x3FB0]  }
0x2c: {  	s7 =	sld [smem:$0x3FB1]  }
0x2d: {  	s3 =	simm.s32 $0x108;
	s8 =	sld [smem:$0x3FB2]  }
0x2e: {  	s3 =	simm.s32 @!p0 $0x1082;
	s9 =	sld [smem:$0x3FB3]  }
0x2f: {  	lr =	sadd.s32 s0, s3;
	s0 =	sld [smem:$0x3FAA]  }
0x30: {  	s3 =	sld [smem:$0x3FAD]  }
0x31: {  	[smem:$0x3FB6] =	sst s10  }
0x32: {  	s10 =	sld [smem:$0x3FB4];
	_ =	sdelay $0x3  }
0x33: {  	p0 =	seq.s32 s10, $0x1;
	s10 =	sld [smem:$0x3FB6];
	_ =	sdelay $0x3  }
0x34: {  	[smem:$0x3FB6] =	sst s10  }
0x35: {  	s10 =	sld [smem:$0x3FB5];
	_ =	sdelay $0x3  }
0x36: {  	p1 =	seq.s32 s10, $0x1;
	s10 =	sld [smem:$0x3FB6];
	_ =	sdelay $0x3  }
0x37: {  	[smem:$0x3FB6] =	sst s10  }
0x38: {  	s10 =	sld [smem:$0x3FB7]  }
0x39: {  	_ = 	snop;
	(pc) =	sbr.ind lr, $3  }
0x3a: {  	_ = 	snop  }
0x3b: {  	_ = 	snop  }
0x3c: {  	p2 =	seq.s32 s10, $0x1;
	s10 =	sld [smem:$0x3FB6]  }
0x3d: {  	_ =	shalt  }
0x3e: {  	_ =	shalt  }
0x3f: {  	_ =	shalt  }
0x40: {  	_ =	shalt  }
0x41: {  	_ =	shalt  }
0x42: {  	_ =	shalt  }
0x43: {  	_ =	shalt  }
0x44: {  	_ =	shalt  }
0x45: {  	_ =	shalt  }
0x46: {  	_ =	shalt  }
0x47: {  	_ =	shalt  }
0x48: {  	_ =	shalt  }
0x49: {  	_ =	shalt  }
0x4a: {  	_ =	shalt  }
0x4b: {  	_ =	shalt  }
0x4c: {  	_ =	shalt  }
0x4d: {  	_ =	shalt  }
0x4e: {  	_ =	shalt  }
0x4f: {  	_ =	shalt  }
0x50: {  	_ =	shalt  }
0x51: {  	_ =	shalt  }
0x52: {  	_ =	shalt  }
0x53: {  	_ =	shalt  }
0x54: {  	_ =	shalt  }
0x55: {  	_ =	shalt  }
0x56: {  	_ =	shalt  }
0x57: {  	_ =	shalt  }
0x58: {  	_ =	shalt  }
0x59: {  	_ =	shalt  }
0x5a: {  	_ =	shalt  }
0x5b: {  	_ =	shalt  }
0x5c: {  	_ =	shalt  }
0x5d: {  	_ =	shalt  }
0x5e: {  	_ =	shalt  }
0x5f: {  	_ =	shalt  }
0x60: {  	_ =	shalt  }
0x61: {  	_ =	shalt  }
0x62: {  	_ =	shalt  }
0x63: {  	_ =	shalt  }
0x64: {  	_ =	shalt  }
0x65: {  	_ =	shalt  }
0x66: {  	_ =	shalt  }
0x67: {  	_ =	shalt  }
0x68: {  	_ =	shalt  }
0x69: {  	_ =	shalt  }
0x6a: {  	_ =	shalt  }
0x6b: {  	_ =	shalt  }
0x6c: {  	_ =	shalt  }
0x6d: {  	_ =	shalt  }
0x6e: {  	_ =	shalt  }
0x6f: {  	_ =	shalt  }
0x70: {  	_ =	shalt  }
0x71: {  	_ =	shalt  }
0x72: {  	_ =	shalt  }
0x73: {  	_ =	shalt  }
0x74: {  	_ =	shalt  }
0x75: {  	_ =	shalt  }
0x76: {  	_ =	shalt  }
0x77: {  	_ =	shalt  }
0x78: {  	_ =	shalt  }
0x79: {  	_ =	shalt  }
0x7a: {  	_ =	shalt  }
0x7b: {  	_ =	shalt  }
0x7c: {  	_ =	shalt  }
0x7d: {  	_ =	shalt  }
0x7e: {  	_ =	shalt  }
0x7f: {  	_ =	shalt  }
0x80: {  	_ =	shalt  }
0x81: {  	_ =	shalt  }
0x82: {  	_ =	shalt  }
0x83: {  	_ =	shalt  }
0x84: {  	_ =	shalt  }
0x85: {  	_ =	shalt  }
0x86: {  	_ =	shalt  }
0x87: {  	_ =	shalt  }
.Lfunc_end0:
.L_simem_size_0:
called_computation_lowered:
.L_overlay_start_0:
0x88: {  	s2 =	sld [smem:$0x3FD9]  }
0x89: {  	s3 =	sld [smem:$0x3FFE];
	_ =	sdelay $0x1  }
0x8a: {  	s1 =	srdreg.scid  }
0x8b: {  	s0 =	sand.u32 $0x1, s1  }
0x8c: {  	s16 =	sshll.u32 s0, $0xA;
	s2 =	sadd.s32 s3, s2  }
0x8d: {  	s2 =	sadd.s32 s2, s16  }
0x8e: {  	[smem:$0x3FC2] =	sst s2  }
0x8f: {  	_ = 	snop  }
0x90: {  	(tm) =	ssettm $0x1  }
0x91: {  	s17 =	sld [smem:$0x3FFB];
	_ =	sdelay $0x3  }
0x92: {  	_ =	strace s17  }
0x93: {  	s2 =	sld [smem:$0x3FFC];
	_ =	sdelay $0x3  }
0x94: {  	_ =	strace s2  }
0x95: {  	s2 =	sld [smem:$0x3FFD];
	_ =	sdelay $0x3  }
0x96: {  	_ =	strace s2  }
0x97: {  	_ =	strace $0x8FFFFFFF  }
0x98: {  	s18 =	sld [smem:$0x3FDB];
	_ =	sdelay $0x1  }
0x99: {  	s19 =	simm.s32 $_scs_section_size  }
0x9a: {  	s4 =	simm.s32 $_size__tile_overlayer_lowered;
	s5 =	simm.s32 $_tile_overlayer_lowered  }
0x9b: {  	s22 =	simm.s32 $0x1BFF;
	s21 =	sshll.u32 s5, $0x1;
	s2 =	sadd.s32 s19, s18  }
0x9c: {  	s6 =	simm.s32 $0x0;
	s20 =	sshll.u32 s4, $0x1;
	s4 =	sadd.s32 s21, s2  }
0x9d: {  	[timem:s6], [sflag:s22] =	dma.local [hbm:s4], s20  }
0x9e: {  	_ =	swait.ge [sflag:s22], s20  }
0x9f: {  	s3 =	ssub.s32 $0x0, s20;
	[sflag:s22] =	ssyncset.done $0x0  }
0xa0: {  	[sflag:s22] =	ssyncadd.s32 s3;
	_ =	sdelay $0x1  }
0xa1: {  	s23 =	simm.s32 $0x1B8B  }
0xa2: {  	_ =	swait.ge [sflag:s23], $0x1  }
0xa3: {  	[sflag:s23] =	ssyncset.done $0x0  }
0xa4: {  	s25 =	simm.s32 $0x1B8E;
	s24 =	sld [smem:$0x3FFE];
	[sflag:s23] =	ssyncadd.s32 $0xFFFFFFFF  }
0xa5: {  	s26 =	simm.s32 $execute0_lowered;
	[smem:$0x3FD2] =	sst s25  }
0xa6: {  	s4 =	sshll.u32 s26, $0x1;
	_ =	strace $0x80000046;
	[dreg:$0x1] =	wrdreg $0xFFFFFFFF  }
0xa7: {  	s28 =	simm.s32 $_size_execute0_lowered;
	s2 =	sadd.s32 s2, s4;
	[dreg:$0x0] =	wrdreg $0x0  }
0xa8: {  	s4 =	sshll.u32 s28, $0x1;
	[dreg:$0x2] =	wrdreg s2  }
0xa9: {  	[dreg:$0x3] =	wrdreg s4  }
0xaa: {  	[dreg:$0x4] =	wrdreg $0xC0  }
0xab: {  	_ =	task [dreg:s6], $0x5FFFF  }
0xac: {  	[dreg:$0x1] =	wrdreg $0xFFFFFFFF  }
0xad: {  	[dreg:$0x0] =	wrdreg $0x60  }
0xae: {  	[dreg:$0x2] =	wrdreg s24  }
0xaf: {  	[dreg:$0x3] =	wrdreg $0x2B000  }
0xb0: {  	[dreg:$0x4] =	wrdreg $0x9  }
0xb1: {  	_ =	task.clear_ibuf [dreg:s6], $0x5FFFF;
	_ =	strace $0x90000046  }
0xb2: {  	s29 =	simm.s32 $0x9;
	_ =	strace $0x80000048  }
0xb3: {  	_ =	swait.ge [sflag:s29], $0x1  }
0xb4: {  	[sflag:s29] =	ssyncadd.s32 $0xFFFFFFFF  }
0xb5: {  	_ =	strace $0x90000048  }
0xb6: {  	_ =	sfence  }
0xb7: {  	s30 =	sld [smem:$0x0];
	_ =	sdelay $0x2  }
0xb8: {  	s31 =	sshll.u32 s1, $0xD;
	s1 =	sshrl.u32 s1, $0x2  }
0xb9: {  	s3 =	sand.u32 $0x4000, s31;
	s1 =	sadd.s32 s1, s30  }
0xba: {  	s0 =	sor.u32 s3, s0;
	s1 =	sshll.u32 s1, $0x11  }
0xbb: {  	s0 =	sor.u32 s1, s0  }
0xbc: {  	s0 =	sadd.s32 $0x8F2B, s0  }
0xbd: {  	[sflag:s0] =	ssyncadd.remote.s32 $0x1  }
0xbe: {  	_ =	sfence.sel $0xFFFF  }
0xbf: {  	[dreg:$0x0] =	wrdreg $0xFFFFFFFF;
	(pc) =	sbr.abs _section_cstart, $3  }
0xc0: {  	[dreg:$0x1] =	wrdreg $0xFFFFFFFF  }
0xc1: {  	_ =	task.clear_ibuf [dreg:s6], $0x2FFFF;
	_ =	strace $0x9FFFFFFF  }
0xc2: {  	(tm) =	ssettm $0x7FFFFFFF  }
0xc3: {  	_ =	shalt  }
tec
execute0_lowered:
.L_overlay_start_1:
0x0: {  	(tag) =	ssettag $0x1  }
0x1: {  	s4 =	rddreg [dreg:$0x0]  }
0x2: {  	s1 =	rddreg [dreg:$0x1]  }
0x3: {  	s2 =	srdreg.scid;
	s0 =	rddreg [dreg:$0x2];
	s3 =	simm.s32 $0x0  }
0x4: {  	s10 =	simm.s32 $0x80;
	s11 =	simm.s32 $0x2800;
	s12 =	simm.s32 $0x1  }
0x5: {  	s15 =	simm.s32 $0x20;
	s16 =	simm.s32 $0x10;
	s17 =	simm.s32 $0x0  }
0x6: {  	s5 =	sand.u32 $0x1, s2;
	s2 =	stileid.u32;
	[smem:$0x7FF] =	sst s3  }
0x7: {  	s6 =	sshll.u32 s5, $0x4;
	s7 =	smul.u32 $0x500, s2;
	_ =	strace $0x80000047  }
0x8: {  	s8 =	sshll.u32 s5, $0x7;
	s5 =	ssub.s32 $0x2, s5;
	s30 =	smul.u32 $0xA00, s2  }
0x9: {  	s13 =	sshll.u32 s2, $0x6;
	s6 =	sor.u32 s2, s6;
	s9 =	sshrl.u32 s5, $0x1  }
0xa: {  	s13 =	sor.u32 $0x1C02, s13;
	s6 =	smul.u32 $0x500, s6;
	s7 =	sor.u32 s8, s7  }
0xb: {  	s9 =	ssub.s32 s5, s9;
	s31 =	sshrl.u32 s30, $0x2;
	s8 =	simm.s32 $0x2  }
0xc: {  	s7 =	sshrl.u32 s7, $0x3;
	s5 =	sadd.s32 s31, s1;
	s6 =	sadd.s32 s6, s4  }
0xd: {  	s7 =	sadd.s32 s7, s4;
	s14 =	sshrl.u32 s5, $0x3;
	s4 =	sadd.s32 $0x1E00, s6  }
0xe: {  	v0 =	vimm.f32 $1.000000000e+00;
	v1 =	vimm.f32 $0.0e+00;
	s6 =	sadd.s32 $0xC600, s7;
	s7 =	smax.u32 s9, $0x1;
	s9 =	simm.s32 $0x2880  }
.LBB2_1:
0xf: {  	[tilespmem:$0x2800] =	vst v0  }
0x10: {  	[tilespmem:$0x2810] =	vst v0  }
0x11: {  	[tilespmem:$0x2820] =	vst v0  }
0x12: {  	[tilespmem:$0x2830] =	vst v0  }
0x13: {  	[tilespmem:$0x2840] =	vst v0  }
0x14: {  	[tilespmem:$0x2850] =	vst v0  }
0x15: {  	[tilespmem:$0x2860] =	vst v0  }
0x16: {  	[tilespmem:$0x2870] =	vst v0  }
0x17: {  	[tilespmem:$0x2880] =	vst v1  }
0x18: {  	[tilespmem:$0x2890] =	vst v1  }
0x19: {  	[tilespmem:$0x28A0] =	vst v1  }
0x1a: {  	[tilespmem:$0x28B0] =	vst v1  }
0x1b: {  	[tilespmem:$0x28C0] =	vst v1  }
0x1c: {  	[tilespmem:$0x28D0] =	vst v1  }
0x1d: {  	[tilespmem:$0x28E0] =	vst v1  }
0x1e: {  	[tilespmem:$0x28F0] =	vst v1  }
0x1f: {  	[tilespmem:$0x2900] =	vst v1  }
0x20: {  	[tilespmem:$0x2910] =	vst v1  }
0x21: {  	[tilespmem:$0x2920] =	vst v1  }
0x22: {  	[tilespmem:$0x2930] =	vst v1  }
0x23: {  	[tilespmem:$0x2940] =	vst v1  }
0x24: {  	[tilespmem:$0x2950] =	vst v1  }
0x25: {  	[tilespmem:$0x2960] =	vst v1  }
0x26: {  	[tilespmem:$0x2970] =	vst v1  }
0x27: {  	[tilespmem:$0x2980] =	vst v1  }
0x28: {  	[tilespmem:$0x2990] =	vst v1  }
0x29: {  	[tilespmem:$0x29A0] =	vst v1  }
0x2a: {  	[tilespmem:$0x29B0] =	vst v1  }
0x2b: {  	[tilespmem:$0x29C0] =	vst v1  }
0x2c: {  	[tilespmem:$0x29D0] =	vst v1  }
0x2d: {  	[tilespmem:$0x29E0] =	vst v1  }
0x2e: {  	[tilespmem:$0x29F0] =	vst v1  }
0x2f: {  	[tilespmem:$0x2A00] =	vst v1  }
0x30: {  	[tilespmem:$0x2A10] =	vst v1  }
0x31: {  	[tilespmem:$0x2A20] =	vst v1  }
0x32: {  	[tilespmem:$0x2A30] =	vst v1  }
0x33: {  	[tilespmem:$0x2A40] =	vst v1  }
0x34: {  	[tilespmem:$0x2A50] =	vst v1  }
0x35: {  	[tilespmem:$0x2A60] =	vst v1  }
0x36: {  	[tilespmem:$0x2A70] =	vst v1  }
0x37: {  	[tilespmem:$0x2A80] =	vst v1  }
0x38: {  	[tilespmem:$0x2A90] =	vst v1  }
0x39: {  	[tilespmem:$0x2AA0] =	vst v1  }
0x3a: {  	[tilespmem:$0x2AB0] =	vst v1  }
0x3b: {  	[tilespmem:$0x2AC0] =	vst v1  }
0x3c: {  	[tilespmem:$0x2AD0] =	vst v1  }
0x3d: {  	[tilespmem:$0x2AE0] =	vst v1  }
0x3e: {  	[tilespmem:$0x2AF0] =	vst v1  }
0x3f: {  	[tilespmem:s3], [sflag:$0x2] =	stream.linear.gather [hbm4b:s4+s3], $0x2800, $0x38;
	[tilespmem:$0x2D80] =	vst v63  }
0x40: {  	_ =	swait.ge [sflag:s8], $0x2800  }
0x41: {  	[sflag:s8] =	ssyncset.done $0x0  }
0x42: {  	[sflag:s8] =	ssyncadd.s32 $0xFFFFD800  }
0x43: {  	[spmem:s5] =	stream.linear.scatter [tilespmem:s9], [sflag:$0x2], $0x280, $0x38;
	[tilespmem:$0x2D80] =	vst v63  }
0x44: {  	_ =	swait.ge [sflag:s8], $0x280  }
0x45: {  	[sflag:s8] =	ssyncset.done $0x0  }
0x46: {  	[sflag:s8] =	ssyncadd.s32 $0xFFFFFD80  }
0x47: {  	s18 =	simm.s32 $0x0;
	[bflag:$0x0] =	sbarrier.arrive $0xFFFF  }
.LBB2_2:
0x48: {  	p0 =	sne.s32 s18, $0x9E00  }
.Ltmp0:
0x49: {  	_ = 	snop;
	(pc) =	sbr.rel @p0 .LBB2_2-.Ltmp0, $3  }
0x4a: {  	_ =	sdelay $0x1  }
0x4b: {  	s19 =	sshra.s32 s18, $0x2;
	s18 =	sadd.s32 $0x200, s18  }
0x4c: {  	[spmem:s1] =	stream.indirect.scatter.add.f32 [tilespmem:s11], [sflag:$0x1], $0x1, s19, s10, $0xb8;
	[tilespmem:$0x2D80] =	vst v63  }
0x4d: {  	_ =	swait.ge [sflag:s12], $0x80  }
0x4e: {  	s18 =	simm.s32 $0x4F;
	[sflag:s12] =	ssyncset.done $0x0  }
.LBB2_4:
0x4f: {  	p0 =	sne.s32 s18, $0x1;
	s18 =	sadd.s32 $0xFFFFFFFF, s18;
	[sflag:s12] =	ssyncadd.s32 $0xFFFFFF80  }
.Ltmp1:
0x50: {  	(pc) =	sbr.rel @p0 .LBB2_4-.Ltmp1, $3  }
0x51: {  	_ =	sdelay $0x1  }
0x52: {  	_ =	swait.ge [sflag:s12], $0x80  }
0x53: {  	[sflag:s12] =	ssyncset.done $0x0  }
0x54: {  	s17 =	sadd.s32 $0x1, s17  }
0x55: {  	[sflag:s12] =	ssyncadd.s32 $0xFFFFFF80;
	p0 =	sne.s32 s17, s7  }
.Ltmp2:
0x56: {  	[bflag:$0x0] =	sbarrier.arrive $0xFFFF;
	(pc) =	sbr.rel @p0 .LBB2_1-.Ltmp2, $4  }
0x57: {  	[hbm:s6@s15], [sflag:s13] =	dma.strided [spmem:s14@s16], $0x50, s12, $0x10   }
0x58: {  	_ =	swait.ge [sflag:s8], $0x50  }
0x59: {  	[sflag:s8] =	ssyncset.done $0x0  }
0x5a: {  	[sflag:s8] =	ssyncadd.s32 $0xFFFFFFB0  }
0x5b: {  	_ =	sfence.sel $0x180000  }
0x5c: {  	[bflag:$0x0] =	sbarrier.arrive $0xFFFF  }
0x5d: {  	p0 =	sne.s32 s2, $0x0;
	_ =	strace $0x90000047  }
0x5e: {  	s0 =	sadd.s32 @!p0 $0x100000, s0;
	[bflag:$0x2] =	sbarrier.arrive $0xFFFF  }
0x5f: {  	[sflag:s0] =	ssyncadd.tile.s32 @!p0 $0x1;
	_ =	shalt  }
.Lfunc_end2:
_tile_overlayer_lowered:
.L_overlay_start_2:
0x60: {  	(tag) =	ssettag $0x2  }
0x61: {  	s0 =	rddreg [dreg:$0x0];
	s2 =	stileid.u32  }
0x62: {  	s1 =	rddreg [dreg:$0x1];
	p0 =	sne.s32 s2, $0x0  }
0x63: {  	s3 =	rddreg [dreg:$0x2];
	[bflag:$0x3] =	sbarrier.arrive $0xFFFF;
	s2 =	simm.s32 @!p0 $0x1C02  }
0x64: {  	[timem:s3], [sflag:s2] =	dma.local @!p0 [hbm:s0], s1  }
0x65: {  	s0 =	simm.s32 @!p0 $0x2  }
0x66: {  	_ =	swait.ge @!p0 [sflag:s0], s1  }
0x67: {  	s1 =	ssub.s32 @!p0 $0x0, s1;
	[sflag:s0] =	ssyncset.done @!p0 $0x0  }
0x68: {  	[sflag:s0] =	ssyncadd.s32 @!p0 s1  }
0x69: {  	[bflag:$0x3] =	sbarrier.arrive $0xFFFF  }
0x6a: {  	_ =	shalt  }

// kernel: kernel.9.cloned.1.call-start
scs
__scs_entry_jumppad:
0x0: {  	(pc) =	sbr.rel $0x88, $3  }
0x1: {  	(tag) =	ssettag $0x0;
	lr =	simm.s32 $0x1  }
0x2: {  	[smem:$0x3F9B] =	sst lr;
	_ =	strace $0xD0000000  }
0x3: {  	_ = 	snop  }
0x4: {  	_ = 	snop  }
0x5: {  	_ = 	snop  }
0x6: {  	_ = 	snop  }
0x7: {  	_ = 	snop  }
__scs_overlays_trampoline_lowered:
0x8: {  	[smem:$0x3FAA] =	sst s0  }
0x9: {  	[smem:$0x3FAB] =	sst s1  }
0xa: {  	[smem:$0x3FAC] =	sst s2  }
0xb: {  	[smem:$0x3FAD] =	sst s3  }
0xc: {  	[smem:$0x3FAE] =	sst s4  }
0xd: {  	[smem:$0x3FAF] =	sst s5  }
0xe: {  	[smem:$0x3FB0] =	sst s6  }
0xf: {  	[smem:$0x3FB1] =	sst s7  }
0x10: {  	[smem:$0x3FB2] =	sst s8  }
0x11: {  	[smem:$0x3FB3] =	sst s9;
	s0 =	simm.s32 @!p0 $0x0  }
0x12: {  	s1 =	sld [smem:$0x3F99];
	s0 =	simm.s32 @p0 $0x1  }
0x13: {  	[smem:$0x3FB4] =	sst s0;
	s0 =	simm.s32 @!p1 $0x0  }
0x14: {  	s2 =	sld [smem:$0x3F98];
	s0 =	simm.s32 @p1 $0x1  }
0x15: {  	[smem:$0x3FB5] =	sst s0;
	s0 =	simm.s32 @!p2 $0x0  }
0x16: {  	s3 =	sld [smem:$0x3FDB];
	s0 =	simm.s32 @p2 $0x1  }
0x17: {  	s4 =	simm.s32 $0x1BF5;
	[smem:$0x3FB7] =	sst s0  }
0x18: {  	s0 =	sld [smem:$0x3F9A];
	_ =	swait.ge [sflag:s4], $0x0  }
0x19: {  	s7 =	sld [smem:$0x3F9B]  }
0x1a: {  	s8 =	sadd.s32 $0xFFFFE003, lr  }
0x1b: {  	s9 =	sadd.s32 $0xFFFFFEF7, lr;
	s5 =	simm.s32 $0xFFFFFFFF;
	p2 =	slt.u32 s8, $0xFFFFF086  }
0x1c: {  	p1 =	slt.u32 s9, $0xF7A;
	s5 =	simm.s32 @!p2 $0x0  }
0x1d: {  	s5 =	simm.s32 @p1 $0x1;
	p0 =	seq.s32 s7, s2  }
0x1e: {  	s7 =	smul.u32 @!p0 $0xF7A, s2;
	p2 =	seq.s32 @!p0 s5, $0x0  }
0x1f: {  	s9 =	smul.u32 $0xF7A, s1;
	s8 =	simm.s32 @!p0 $0x1BF5;
	p2 =	por !p2, p0  }
0x20: {  	[sflag:s8] =	ssyncset.s32 @!p0 $0xFFFFF086;
	s6 =	sadd.s32 @!p0 s3, s7;
	s7 =	simm.s32 @!p0 $0x108  }
0x21: {  	s3 =	sadd.s32 s3, s9;
	s6 =	sadd.s32 @!p0 $0x88, s6;
	s7 =	simm.s32 @p2 $0x1082  }
0x22: {  	[simem:s7], [sflag:s8] =	dma.local @!p0 [hbm:s6], $0xF7A  }
0x23: {  	s9 =	sor.u32 $0xD0000000, s2;
	s6 =	simm.s32 $0x108;
	_ =	swait.ge @!p0 [sflag:s8], $0x0  }
0x24: {  	s3 =	sadd.s32 $0x88, s3;
	s6 =	simm.s32 @!p1 $0x1082;
	[sflag:s4] =	ssyncset.s32 $0xFFFFF086  }
0x25: {  	[simem:s6], [sflag:s4] =	dma.local [hbm:s3], $0xF7A  }
0x26: {  	[smem:$0x3F9B] =	sst s1;
	(tag) =	ssettag s2;
	_ =	strace s9  }
0x27: {  	s1 =	sld [smem:$0x3FAB]  }
0x28: {  	s2 =	sld [smem:$0x3FAC]  }
0x29: {  	s4 =	sld [smem:$0x3FAE]  }
0x2a: {  	p0 =	seq.s32 s5, $0x0;
	s5 =	sld [smem:$0x3FAF]  }
0x2b: {  	s6 =	sld [smem:$0x3FB0]  }
0x2c: {  	s7 =	sld [smem:$0x3FB1]  }
0x2d: {  	s3 =	simm.s32 $0x108;
	s8 =	sld [smem:$0x3FB2]  }
0x2e: {  	s3 =	simm.s32 @!p0 $0x1082;
	s9 =	sld [smem:$0x3FB3]  }
0x2f: {  	lr =	sadd.s32 s0, s3;
	s0 =	sld [smem:$0x3FAA]  }
0x30: {  	s3 =	sld [smem:$0x3FAD]  }
0x31: {  	[smem:$0x3FB6] =	sst s10  }
0x32: {  	s10 =	sld [smem:$0x3FB4];
	_ =	sdelay $0x3  }
0x33: {  	p0 =	seq.s32 s10, $0x1;
	s10 =	sld [smem:$0x3FB6];
	_ =	sdelay $0x3  }
0x34: {  	[smem:$0x3FB6] =	sst s10  }
0x35: {  	s10 =	sld [smem:$0x3FB5];
	_ =	sdelay $0x3  }
0x36: {  	p1 =	seq.s32 s10, $0x1;
	s10 =	sld [smem:$0x3FB6];
	_ =	sdelay $0x3  }
0x37: {  	[smem:$0x3FB6] =	sst s10  }
0x38: {  	s10 =	sld [smem:$0x3FB7]  }
0x39: {  	_ = 	snop;
	(pc) =	sbr.ind lr, $3  }
0x3a: {  	_ = 	snop  }
0x3b: {  	_ = 	snop  }
0x3c: {  	p2 =	seq.s32 s10, $0x1;
	s10 =	sld [smem:$0x3FB6]  }
0x3d: {  	_ =	shalt  }
0x3e: {  	_ =	shalt  }
0x3f: {  	_ =	shalt  }
0x40: {  	_ =	shalt  }
0x41: {  	_ =	shalt  }
0x42: {  	_ =	shalt  }
0x43: {  	_ =	shalt  }
0x44: {  	_ =	shalt  }
0x45: {  	_ =	shalt  }
0x46: {  	_ =	shalt  }
0x47: {  	_ =	shalt  }
0x48: {  	_ =	shalt  }
0x49: {  	_ =	shalt  }
0x4a: {  	_ =	shalt  }
0x4b: {  	_ =	shalt  }
0x4c: {  	_ =	shalt  }
0x4d: {  	_ =	shalt  }
0x4e: {  	_ =	shalt  }
0x4f: {  	_ =	shalt  }
0x50: {  	_ =	shalt  }
0x51: {  	_ =	shalt  }
0x52: {  	_ =	shalt  }
0x53: {  	_ =	shalt  }
0x54: {  	_ =	shalt  }
0x55: {  	_ =	shalt  }
0x56: {  	_ =	shalt  }
0x57: {  	_ =	shalt  }
0x58: {  	_ =	shalt  }
0x59: {  	_ =	shalt  }
0x5a: {  	_ =	shalt  }
0x5b: {  	_ =	shalt  }
0x5c: {  	_ =	shalt  }
0x5d: {  	_ =	shalt  }
0x5e: {  	_ =	shalt  }
0x5f: {  	_ =	shalt  }
0x60: {  	_ =	shalt  }
0x61: {  	_ =	shalt  }
0x62: {  	_ =	shalt  }
0x63: {  	_ =	shalt  }
0x64: {  	_ =	shalt  }
0x65: {  	_ =	shalt  }
0x66: {  	_ =	shalt  }
0x67: {  	_ =	shalt  }
0x68: {  	_ =	shalt  }
0x69: {  	_ =	shalt  }
0x6a: {  	_ =	shalt  }
0x6b: {  	_ =	shalt  }
0x6c: {  	_ =	shalt  }
0x6d: {  	_ =	shalt  }
0x6e: {  	_ =	shalt  }
0x6f: {  	_ =	shalt  }
0x70: {  	_ =	shalt  }
0x71: {  	_ =	shalt  }
0x72: {  	_ =	shalt  }
0x73: {  	_ =	shalt  }
0x74: {  	_ =	shalt  }
0x75: {  	_ =	shalt  }
0x76: {  	_ =	shalt  }
0x77: {  	_ =	shalt  }
0x78: {  	_ =	shalt  }
0x79: {  	_ =	shalt  }
0x7a: {  	_ =	shalt  }
0x7b: {  	_ =	shalt  }
0x7c: {  	_ =	shalt  }
0x7d: {  	_ =	shalt  }
0x7e: {  	_ =	shalt  }
0x7f: {  	_ =	shalt  }
0x80: {  	_ =	shalt  }
0x81: {  	_ =	shalt  }
0x82: {  	_ =	shalt  }
0x83: {  	_ =	shalt  }
0x84: {  	_ =	shalt  }
0x85: {  	_ =	shalt  }
0x86: {  	_ =	shalt  }
0x87: {  	_ =	shalt  }
.Lfunc_end0:
.L_simem_size_0:
called_computation.1_lowered:
.L_overlay_start_0:
0x88: {  	s2 =	sld [smem:$0x3FD9]  }
0x89: {  	s3 =	sld [smem:$0x3FFE];
	_ =	sdelay $0x1  }
0x8a: {  	s1 =	srdreg.scid  }
0x8b: {  	s0 =	sand.u32 $0x1, s1  }
0x8c: {  	s17 =	sshll.u32 s0, $0xA;
	s2 =	sadd.s32 s3, s2  }
0x8d: {  	s2 =	sadd.s32 s2, s17  }
0x8e: {  	[smem:$0x3FC2] =	sst s2  }
0x8f: {  	_ = 	snop  }
0x90: {  	s2 =	sld [smem:$0x3FD0];
	(tm) =	ssettm $0x1  }
0x91: {  	s18 =	sld [smem:$0x3FFB];
	_ =	sdelay $0x3  }
0x92: {  	_ =	strace s18  }
0x93: {  	s3 =	sld [smem:$0x3FFC];
	_ =	sdelay $0x3  }
0x94: {  	_ =	strace s3  }
0x95: {  	s3 =	sld [smem:$0x3FFD];
	_ =	sdelay $0x3  }
0x96: {  	_ =	strace s3  }
0x97: {  	_ =	strace $0x8FFFFFFF  }
0x98: {  	s19 =	sld [smem:$0x3FDB];
	_ =	sdelay $0x1  }
0x99: {  	s4 =	simm.s32 $_scs_section_size  }
0x9a: {  	s5 =	simm.s32 $_size__tile_overlayer_lowered;
	s6 =	simm.s32 $_tile_overlayer_lowered  }
0x9b: {  	s22 =	simm.s32 $0x1BFF;
	s21 =	sshll.u32 s6, $0x1;
	s3 =	sadd.s32 s4, s19  }
0x9c: {  	s7 =	simm.s32 $0x0;
	s20 =	sshll.u32 s5, $0x1;
	s5 =	sadd.s32 s21, s3  }
0x9d: {  	[timem:s7], [sflag:s22] =	dma.local [hbm:s5], s20  }
0x9e: {  	_ =	swait.ge [sflag:s22], s20  }
0x9f: {  	s4 =	ssub.s32 $0x0, s20;
	[sflag:s22] =	ssyncset.done $0x0  }
0xa0: {  	[sflag:s22] =	ssyncadd.s32 s4;
	_ =	sdelay $0x1  }
0xa1: {  	s23 =	simm.s32 $0x1B8B  }
0xa2: {  	_ =	swait.ge [sflag:s23], $0x1  }
0xa3: {  	[sflag:s23] =	ssyncset.done $0x0  }
0xa4: {  	s25 =	simm.s32 $0x1B8E;
	s24 =	sld [smem:$0x3FFE];
	[sflag:s23] =	ssyncadd.s32 $0xFFFFFFFF  }
0xa5: {  	s26 =	simm.s32 $execute0_lowered;
	[smem:$0x3FD2] =	sst s25  }
0xa6: {  	s5 =	sshll.u32 s26, $0x1;
	_ =	strace $0x80000049;
	[dreg:$0x1] =	wrdreg $0xFFFFFFFF  }
0xa7: {  	s28 =	simm.s32 $_size_execute0_lowered;
	s3 =	sadd.s32 s3, s5;
	[dreg:$0x0] =	wrdreg $0x0  }
0xa8: {  	s5 =	sshll.u32 s28, $0x1;
	[dreg:$0x2] =	wrdreg s3  }
0xa9: {  	[dreg:$0x3] =	wrdreg s5  }
0xaa: {  	[dreg:$0x4] =	wrdreg $0xC0  }
0xab: {  	_ =	task [dreg:s7], $0x5FFFF  }
0xac: {  	[dreg:$0x1] =	wrdreg $0xFFFFFFFF  }
0xad: {  	[dreg:$0x0] =	wrdreg $0x60  }
0xae: {  	[dreg:$0x2] =	wrdreg s24  }
0xaf: {  	[dreg:$0x3] =	wrdreg s2  }
0xb0: {  	[dreg:$0x4] =	wrdreg $0x90000  }
0xb1: {  	[dreg:$0x5] =	wrdreg $0x9  }
0xb2: {  	_ =	task.clear_ibuf [dreg:s7], $0x6FFFF;
	_ =	strace $0x90000049  }
0xb3: {  	s29 =	simm.s32 $0x9;
	_ =	strace $0x8000004B  }
0xb4: {  	_ =	swait.ge [sflag:s29], $0x1  }
0xb5: {  	[sflag:s29] =	ssyncadd.s32 $0xFFFFFFFF  }
0xb6: {  	_ =	strace $0x9000004B  }
0xb7: {  	_ =	sfence  }
0xb8: {  	s30 =	sld [smem:$0x0];
	_ =	sdelay $0x2  }
0xb9: {  	s31 =	sshll.u32 s1, $0xD;
	s1 =	sshrl.u32 s1, $0x2  }
0xba: {  	s3 =	sand.u32 $0x4000, s31;
	s1 =	sadd.s32 s1, s30  }
0xbb: {  	s0 =	sor.u32 s3, s0;
	s1 =	sshll.u32 s1, $0x11  }
0xbc: {  	s0 =	sor.u32 s1, s0  }
0xbd: {  	s0 =	sadd.s32 $0x8F2B, s0  }
0xbe: {  	[sflag:s0] =	ssyncadd.remote.s32 $0x1  }
0xbf: {  	_ =	sfence.sel $0xFFFF  }
0xc0: {  	[dreg:$0x0] =	wrdreg $0xFFFFFFFF;
	(pc) =	sbr.abs _section_cstart, $3  }
0xc1: {  	[dreg:$0x1] =	wrdreg $0xFFFFFFFF  }
0xc2: {  	_ =	task.clear_ibuf [dreg:s7], $0x2FFFF;
	_ =	strace $0x9FFFFFFF  }
0xc3: {  	(tm) =	ssettm $0x7FFFFFFF  }
tec
execute0_lowered:
.L_overlay_start_1:
0x0: {  	(tag) =	ssettag $0x1  }
0x1: {  	s0 =	rddreg [dreg:$0x0]  }
0x2: {  	s1 =	rddreg [dreg:$0x1]  }
0x3: {  	s2 =	rddreg [dreg:$0x2]  }
0x4: {  	s3 =	srdreg.scid;
	s9 =	stileid.u32;
	s14 =	simm.s32 $0x1000  }
0x5: {  	s15 =	simm.s32 $0x3;
	s16 =	simm.s32 $0x800;
	s17 =	simm.s32 $0x80  }
0x6: {  	s18 =	simm.s32 $0x5000;
	s28 =	simm.s32 $0x500;
	s29 =	simm.s32 $0xC80  }
0x7: {  	s12 =	simm.s32 $0xE80;
	s13 =	simm.s32 $0x780;
	s4 =	smul.u32 $0x90, s9  }
0x8: {  	s5 =	sand.u32 $0x1, s3;
	s19 =	sshll.u32 s9, $0x4;
	s8 =	smul.u32 $0x14000, s9  }
0x9: {  	s3 =	simm.s32 $0x0;
	s9 =	smul.u32 $0x50000, s9;
	p0 =	seq.s32 s5, $0x0  }
0xa: {  	s6 =	sor.u32 $0x900, s19;
	s7 =	smul.u32 $0x140000, s5;
	[smem:$0x7FF] =	sst s3  }
0xb: {  	s20 =	ssub.s32 $0x2, s5;
	s19 =	simm.s32 $0x1;
	s6 =	smov.u32 @p0 s4  }
0xc: {  	_ =	strace $0x8000004A;
	s4 =	sadd.s32 $0xC600, s0;
	s9 =	sshrl.u32 s9, $0x2  }
0xd: {  	s11 =	sshrl.u32 s20, $0x1;
	p0 =	sne.s32 s5, $0x0;
	s5 =	simm.s32 $0xF00  }
0xe: {  	s6 =	sshll.u32 s6, $0x4;
	s7 =	sadd.s32 s8, s7;
	s9 =	sadd.s32 s9, s2  }
0xf: {  	s21 =	ssub.s32 s20, s11;
	s8 =	simm.s32 $0xD80;
	s11 =	simm.s32 $0x700  }
0x10: {  	s20 =	simm.s32 $0xF80;
	s22 =	sadd.s32 $0x4000, s9;
	[dreg:$0x4] =	wrdreg s9  }
0x11: {  	s10 =	sadd.s32 s6, s0;
	s23 =	sadd.s32 $0x8000, s9;
	[dreg:$0x5] =	wrdreg s22  }
0x12: {  	s7 =	sshrl.u32 s7, $0x3;
	s24 =	sadd.s32 $0xC000, s9;
	[dreg:$0x6] =	wrdreg s23  }
0x13: {  	s25 =	sadd.s32 $0x10000, s9;
	s26 =	smax.u32 s21, $0x1;
	[dreg:$0x7] =	wrdreg s24  }
0x14: {  	s31 =	sadd.s32 s6, s1;
	s21 =	simm.s32 $0x2;
	[dreg:$0x8] =	wrdreg s25  }
0x15: {  	s1 =	simm.s32 $0x0;
	s6 =	simm.s32 $0xD00;
	[dreg:$0xa] =	wrdreg s26  }
0x16: {  	s0 =	sadd.s32 s7, s0;
	s30 =	sadd.s32 $0x1E00, s10;
	[dreg:$0xc] =	wrdreg s31  }
0x17: {  	s23 =	simm.s32 $0x400;
	s24 =	simm.s32 $0xB80;
	s25 =	simm.s32 $0x480  }
0x18: {  	s26 =	simm.s32 $0xC00;
	s0 =	sadd.s32 $0x34600, s0;
	[dreg:$0xb] =	wrdreg s30  }
0x19: {  	v0 =	vimm.f32 $0.0e+00;
	s7 =	simm.s32 $0x600;
	s10 =	simm.s32 $0xE00;
	[dreg:$0x9] =	wrdreg s0  }
.LBB2_1:
0x1a: {  	[dreg:$0xd] =	wrdreg s1;
	s0 =	simm.s32 $0x10;
	s30 =	sand.u32 $0x3FF0, s3  }
.LBB2_2:
0x1b: {  	p1 =	sne.s32 s0, $0x3FF0;
	[tilespmem:s30+$0x1000] =	vst v0;
	s30 =	smov.u32 s0;
	s0 =	sadd.s32 $0x10, s0  }
.Ltmp0:
0x1c: {  	(pc) =	sbr.rel @p1 .LBB2_2-.Ltmp0, $2  }
0x1d: {  	_ =	sdelay $0x2  }
0x1e: {  	s30 =	sand.u32 $0x3FF0, s30  }
0x1f: {  	[tilespmem:s30+$0x1000] =	vst v0  }
0x20: {  	[spmem:s9] =	stream.linear.scatter [tilespmem:s14], [sflag:$0x3], $0x4000, $0x38;
	[tilespmem:$0x1D000] =	vst v63  }
0x21: {  	_ =	swait.ge [sflag:s15], $0x4000  }
0x22: {  	[sflag:s15] =	ssyncset.done $0x0  }
0x23: {  	s0 =	rddreg [dreg:$0x5];
	[sflag:s15] =	ssyncadd.s32 $0xFFFFC000  }
0x24: {  	[spmem:s0] =	stream.linear.scatter [tilespmem:s14], [sflag:$0x3], $0x4000, $0x38;
	[tilespmem:$0x1D000] =	vst v63  }
0x25: {  	_ =	swait.ge [sflag:s15], $0x4000  }
0x26: {  	[sflag:s15] =	ssyncset.done $0x0  }
0x27: {  	s1 =	rddreg [dreg:$0x6];
	[sflag:s15] =	ssyncadd.s32 $0xFFFFC000  }
0x28: {  	[spmem:s1] =	stream.linear.scatter [tilespmem:s14], [sflag:$0x3], $0x4000, $0x38;
	[tilespmem:$0x1D000] =	vst v63  }
0x29: {  	_ =	swait.ge [sflag:s15], $0x4000  }
0x2a: {  	[sflag:s15] =	ssyncset.done $0x0  }
0x2b: {  	s9 =	rddreg [dreg:$0x7];
	[sflag:s15] =	ssyncadd.s32 $0xFFFFC000  }
0x2c: {  	[spmem:s9] =	stream.linear.scatter [tilespmem:s14], [sflag:$0x3], $0x4000, $0x38;
	[tilespmem:$0x1D000] =	vst v63  }
0x2d: {  	_ =	swait.ge [sflag:s15], $0x4000  }
0x2e: {  	[sflag:s15] =	ssyncset.done $0x0  }
0x2f: {  	s22 =	rddreg [dreg:$0x8];
	[sflag:s15] =	ssyncadd.s32 $0xFFFFC000  }
0x30: {  	[spmem:s22] =	stream.linear.scatter [tilespmem:s14], [sflag:$0x3], $0x4000, $0x38;
	[tilespmem:$0x1D000] =	vst v63  }
0x31: {  	_ =	swait.ge [sflag:s15], $0x4000  }
0x32: {  	[sflag:s15] =	ssyncset.done $0x0  }
0x33: {  	[sflag:s15] =	ssyncadd.s32 $0xFFFFC000  }
0x34: {  	[bflag:$0x0] =	sbarrier.arrive $0xFFFF  }
0x35: {  	s0 =	simm.s32 $0x0;
	s30 =	rddreg [dreg:$0xc]  }
0x36: {  	s1 =	simm.s32 $0x580;
	s9 =	simm.s32 $0x680;
	s31 =	rddreg [dreg:$0xb]  }
.LBB2_4:
0x37: {  	[tilespmem:s3], [sflag:$0x3] =	stream.linear.gather [hbm4b:s30+s3], $0x800, $0x38;
	[tilespmem:$0x1D000] =	vst v63  }
0x38: {  	_ =	swait.ge [sflag:s15], $0x800  }
0x39: {  	[sflag:s15] =	ssyncset.done $0x0  }
0x3a: {  	[sflag:s15] =	ssyncadd.s32 $0xFFFFF800  }
0x3b: {  	[tilespmem:s16], [sflag:$0x3] =	stream.linear.gather [hbm4b:s31+s3], $0x800, $0x38;
	[tilespmem:$0x1D000] =	vst v63  }
0x3c: {  	_ =	swait.ge [sflag:s15], $0x800  }
0x3d: {  	[sflag:s15] =	ssyncset.done $0x0  }
0x3e: {  	[sflag:s15] =	ssyncadd.s32 $0xFFFFF800  }
0x3f: {  	[tilespmem:s14], [sflag:$0x1] =	stream.indirect.gather [hbm4b:s4+s17], $0x80, s3, s17, $0xb8;
	[tilespmem:$0x1D000] =	vst v63  }
0x40: {  	_ = 	snop  }
0x41: {  	[tilespmem:s18], [sflag:$0x2] =	stream.indirect.gather [hbm4b:s4+s17], $0x80, s17, s17, $0xb8;
	[tilespmem:$0x1D000] =	vst v63  }
0x42: {  	_ =	swait.ge [sflag:s19], $0x4000  }
0x43: {  	[sflag:s19] =	ssyncset.done $0x0  }
0x44: {  	[sflag:s19] =	ssyncadd.s32 $0xFFFFC000  }
0x45: {  	[spmem:s2] =	stream.indirect.scatter.add.f32 [tilespmem:s14], [sflag:$0x3], $0x80, s16, s17, $0xb8;
	[tilespmem:$0x1D000] =	vst v63  }
0x46: {  	_ =	swait.ge [sflag:s15], $0x4000  }
0x47: {  	[sflag:s15] =	ssyncset.done $0x0  }
0x48: {  	s22 =	simm.s32 $0x100;
	[sflag:s15] =	ssyncadd.s32 $0xFFFFC000  }
0x49: {  	[tilespmem:s14], [sflag:$0x1] =	stream.indirect.gather [hbm4b:s4+s17], $0x80, s22, s17, $0xb8;
	[tilespmem:$0x1D000] =	vst v63  }
0x4a: {  	_ =	swait.ge [sflag:s21], $0x4000  }
0x4b: {  	[sflag:s21] =	ssyncset.done $0x0  }
0x4c: {  	s22 =	simm.s32 $0x880;
	[sflag:s21] =	ssyncadd.s32 $0xFFFFC000  }
0x4d: {  	[spmem:s2] =	stream.indirect.scatter.add.f32 [tilespmem:s18], [sflag:$0x3], $0x80, s22, s17, $0xb8;
	[tilespmem:$0x1D000] =	vst v63  }
0x4e: {  	_ =	swait.ge [sflag:s15], $0x4000  }
0x4f: {  	[sflag:s15] =	ssyncset.done $0x0  }
0x50: {  	s22 =	simm.s32 $0x180;
	[sflag:s15] =	ssyncadd.s32 $0xFFFFC000  }
0x51: {  	[tilespmem:s18], [sflag:$0x2] =	stream.indirect.gather [hbm4b:s4+s17], $0x80, s22, s17, $0xb8;
	[tilespmem:$0x1D000] =	vst v63  }
0x52: {  	_ =	swait.ge [sflag:s19], $0x4000  }
0x53: {  	[sflag:s19] =	ssyncset.done $0x0  }
0x54: {  	s22 =	simm.s32 $0x900;
	[sflag:s19] =	ssyncadd.s32 $0xFFFFC000  }
0x55: {  	[spmem:s2] =	stream.indirect.scatter.add.f32 [tilespmem:s14], [sflag:$0x3], $0x80, s22, s17, $0xb8;
	[tilespmem:$0x1D000] =	vst v63  }
0x56: {  	_ =	swait.ge [sflag:s15], $0x4000  }
0x57: {  	[sflag:s15] =	ssyncset.done $0x0  }
0x58: {  	s22 =	simm.s32 $0x200;
	[sflag:s15] =	ssyncadd.s32 $0xFFFFC000  }
0x59: {  	[tilespmem:s14], [sflag:$0x1] =	stream.indirect.gather [hbm4b:s4+s17], $0x80, s22, s17, $0xb8;
	[tilespmem:$0x1D000] =	vst v63  }
0x5a: {  	_ =	swait.ge [sflag:s21], $0x4000  }
0x5b: {  	[sflag:s21] =	ssyncset.done $0x0  }
0x5c: {  	s22 =	simm.s32 $0x980;
	[sflag:s21] =	ssyncadd.s32 $0xFFFFC000  }
0x5d: {  	[spmem:s2] =	stream.indirect.scatter.add.f32 [tilespmem:s18], [sflag:$0x3], $0x80, s22, s17, $0xb8;
	[tilespmem:$0x1D000] =	vst v63  }
0x5e: {  	_ =	swait.ge [sflag:s15], $0x4000  }
0x5f: {  	[sflag:s15] =	ssyncset.done $0x0  }
0x60: {  	s22 =	simm.s32 $0x280;
	[sflag:s15] =	ssyncadd.s32 $0xFFFFC000  }
0x61: {  	[tilespmem:s18], [sflag:$0x2] =	stream.indirect.gather [hbm4b:s4+s17], $0x80, s22, s17, $0xb8;
	[tilespmem:$0x1D000] =	vst v63  }
0x62: {  	_ =	swait.ge [sflag:s19], $0x4000  }
0x63: {  	[sflag:s19] =	ssyncset.done $0x0  }
0x64: {  	s22 =	simm.s32 $0xA00;
	[sflag:s19] =	ssyncadd.s32 $0xFFFFC000  }
0x65: {  	[spmem:s2] =	stream.indirect.scatter.add.f32 [tilespmem:s14], [sflag:$0x3], $0x80, s22, s17, $0xb8;
	[tilespmem:$0x1D000] =	vst v63  }
0x66: {  	_ =	swait.ge [sflag:s15], $0x4000  }
0x67: {  	[sflag:s15] =	ssyncset.done $0x0  }
0x68: {  	s22 =	simm.s32 $0x300;
	[sflag:s15] =	ssyncadd.s32 $0xFFFFC000  }
0x69: {  	[tilespmem:s14], [sflag:$0x1] =	stream.indirect.gather [hbm4b:s4+s17], $0x80, s22, s17, $0xb8;
	[tilespmem:$0x1D000] =	vst v63  }
0x6a: {  	_ =	swait.ge [sflag:s21], $0x4000  }
0x6b: {  	[sflag:s21] =	ssyncset.done $0x0  }
0x6c: {  	s22 =	simm.s32 $0xA80;
	[sflag:s21] =	ssyncadd.s32 $0xFFFFC000  }
0x6d: {  	[spmem:s2] =	stream.indirect.scatter.add.f32 [tilespmem:s18], [sflag:$0x3], $0x80, s22, s17, $0xb8;
	[tilespmem:$0x1D000] =	vst v63  }
0x6e: {  	_ =	swait.ge [sflag:s15], $0x4000  }
0x6f: {  	[sflag:s15] =	ssyncset.done $0x0  }
0x70: {  	s22 =	simm.s32 $0x380;
	[sflag:s15] =	ssyncadd.s32 $0xFFFFC000  }
0x71: {  	[tilespmem:s18], [sflag:$0x2] =	stream.indirect.gather [hbm4b:s4+s17], $0x80, s22, s17, $0xb8;
	[tilespmem:$0x1D000] =	vst v63  }
0x72: {  	_ =	swait.ge [sflag:s19], $0x4000  }
0x73: {  	[sflag:s19] =	ssyncset.done $0x0  }
0x74: {  	s22 =	simm.s32 $0xB00;
	[sflag:s19] =	ssyncadd.s32 $0xFFFFC000  }
0x75: {  	[spmem:s2] =	stream.indirect.scatter.add.f32 [tilespmem:s14], [sflag:$0x3], $0x80, s22, s17, $0xb8;
	[tilespmem:$0x1D000] =	vst v63  }
0x76: {  	_ =	swait.ge [sflag:s15], $0x4000  }
0x77: {  	[sflag:s15] =	ssyncset.done $0x0  }
0x78: {  	[sflag:s15] =	ssyncadd.s32 $0xFFFFC000  }
0x79: {  	[tilespmem:s14], [sflag:$0x1] =	stream.indirect.gather [hbm4b:s4+s17], $0x80, s23, s17, $0xb8;
	[tilespmem:$0x1D000] =	vst v63  }
0x7a: {  	_ =	swait.ge [sflag:s21], $0x4000  }
0x7b: {  	[sflag:s21] =	ssyncset.done $0x0  }
0x7c: {  	[sflag:s21] =	ssyncadd.s32 $0xFFFFC000  }
0x7d: {  	[spmem:s2] =	stream.indirect.scatter.add.f32 [tilespmem:s18], [sflag:$0x3], $0x80, s24, s17, $0xb8;
	[tilespmem:$0x1D000] =	vst v63  }
0x7e: {  	_ =	swait.ge [sflag:s15], $0x4000  }
0x7f: {  	[sflag:s15] =	ssyncset.done $0x0  }
0x80: {  	[sflag:s15] =	ssyncadd.s32 $0xFFFFC000  }
0x81: {  	[tilespmem:s18], [sflag:$0x2] =	stream.indirect.gather [hbm4b:s4+s17], $0x80, s25, s17, $0xb8;
	[tilespmem:$0x1D000] =	vst v63  }
0x82: {  	_ =	swait.ge [sflag:s19], $0x4000  }
0x83: {  	[sflag:s19] =	ssyncset.done $0x0  }
0x84: {  	[sflag:s19] =	ssyncadd.s32 $0xFFFFC000  }
0x85: {  	[spmem:s2] =	stream.indirect.scatter.add.f32 [tilespmem:s14], [sflag:$0x3], $0x80, s26, s17, $0xb8;
	[tilespmem:$0x1D000] =	vst v63  }
0x86: {  	_ =	swait.ge [sflag:s15], $0x4000  }
0x87: {  	[sflag:s15] =	ssyncset.done $0x0  }
0x88: {  	[sflag:s15] =	ssyncadd.s32 $0xFFFFC000  }
0x89: {  	[tilespmem:s14], [sflag:$0x1] =	stream.indirect.gather [hbm4b:s4+s17], $0x80, s28, s17, $0xb8;
	[tilespmem:$0x1D000] =	vst v63  }
0x8a: {  	_ =	swait.ge [sflag:s21], $0x4000  }
0x8b: {  	[sflag:s21] =	ssyncset.done $0x0  }
0x8c: {  	[sflag:s21] =	ssyncadd.s32 $0xFFFFC000  }
0x8d: {  	[spmem:s2] =	stream.indirect.scatter.add.f32 [tilespmem:s18], [sflag:$0x3], $0x80, s29, s17, $0xb8;
	[tilespmem:$0x1D000] =	vst v63  }
0x8e: {  	_ =	swait.ge [sflag:s15], $0x4000  }
0x8f: {  	[sflag:s15] =	ssyncset.done $0x0  }
0x90: {  	[sflag:s15] =	ssyncadd.s32 $0xFFFFC000  }
0x91: {  	[tilespmem:s18], [sflag:$0x2] =	stream.indirect.gather [hbm4b:s4+s17], $0x80, s1, s17, $0xb8;
	[tilespmem:$0x1D000] =	vst v63  }
0x92: {  	_ =	swait.ge [sflag:s19], $0x4000  }
0x93: {  	[sflag:s19] =	ssyncset.done $0x0  }
0x94: {  	[sflag:s19] =	ssyncadd.s32 $0xFFFFC000  }
0x95: {  	[spmem:s2] =	stream.indirect.scatter.add.f32 [tilespmem:s14], [sflag:$0x3], $0x80, s6, s17, $0xb8;
	[tilespmem:$0x1D000] =	vst v63  }
0x96: {  	_ =	swait.ge [sflag:s15], $0x4000  }
0x97: {  	[sflag:s15] =	ssyncset.done $0x0  }
0x98: {  	[sflag:s15] =	ssyncadd.s32 $0xFFFFC000  }
0x99: {  	[tilespmem:s14], [sflag:$0x1] =	stream.indirect.gather [hbm4b:s4+s17], $0x80, s7, s17, $0xb8;
	[tilespmem:$0x1D000] =	vst v63  }
0x9a: {  	_ =	swait.ge [sflag:s21], $0x4000  }
0x9b: {  	[sflag:s21] =	ssyncset.done $0x0  }
0x9c: {  	[sflag:s21] =	ssyncadd.s32 $0xFFFFC000  }
0x9d: {  	[spmem:s2] =	stream.indirect.scatter.add.f32 [tilespmem:s18], [sflag:$0x3], $0x80, s8, s17, $0xb8;
	[tilespmem:$0x1D000] =	vst v63  }
0x9e: {  	_ =	swait.ge [sflag:s15], $0x4000  }
0x9f: {  	[sflag:s15] =	ssyncset.done $0x0  }
0xa0: {  	[sflag:s15] =	ssyncadd.s32 $0xFFFFC000  }
0xa1: {  	[tilespmem:s18], [sflag:$0x2] =	stream.indirect.gather [hbm4b:s4+s17], $0x80, s9, s17, $0xb8;
	[tilespmem:$0x1D000] =	vst v63  }
0xa2: {  	_ =	swait.ge [sflag:s19], $0x4000  }
0xa3: {  	[sflag:s19] =	ssyncset.done $0x0  }
0xa4: {  	[sflag:s19] =	ssyncadd.s32 $0xFFFFC000  }
0xa5: {  	[spmem:s2] =	stream.indirect.scatter.add.f32 [tilespmem:s14], [sflag:$0x3], $0x80, s10, s17, $0xb8;
	[tilespmem:$0x1D000] =	vst v63  }
0xa6: {  	_ =	swait.ge [sflag:s15], $0x4000  }
0xa7: {  	[sflag:s15] =	ssyncset.done $0x0  }
0xa8: {  	[sflag:s15] =	ssyncadd.s32 $0xFFFFC000  }
0xa9: {  	[tilespmem:s14], [sflag:$0x1] =	stream.indirect.gather [hbm4b:s4+s17], $0x80, s11, s17, $0xb8;
	[tilespmem:$0x1D000] =	vst v63  }
0xaa: {  	_ =	swait.ge [sflag:s21], $0x4000  }
0xab: {  	[sflag:s21] =	ssyncset.done $0x0  }
0xac: {  	[sflag:s21] =	ssyncadd.s32 $0xFFFFC000  }
0xad: {  	[spmem:s2] =	stream.indirect.scatter.add.f32 [tilespmem:s18], [sflag:$0x3], $0x80, s12, s17, $0xb8;
	[tilespmem:$0x1D000] =	vst v63  }
0xae: {  	_ =	swait.ge [sflag:s15], $0x4000  }
0xaf: {  	[sflag:s15] =	ssyncset.done $0x0  }
0xb0: {  	[sflag:s15] =	ssyncadd.s32 $0xFFFFC000  }
0xb1: {  	[tilespmem:s18], [sflag:$0x2] =	stream.indirect.gather [hbm4b:s4+s17], $0x80, s13, s17, $0xb8;
	[tilespmem:$0x1D000] =	vst v63  }
0xb2: {  	_ =	swait.ge [sflag:s19], $0x4000  }
0xb3: {  	[sflag:s19] =	ssyncset.done $0x0  }
0xb4: {  	[sflag:s19] =	ssyncadd.s32 $0xFFFFC000  }
0xb5: {  	[spmem:s2] =	stream.indirect.scatter.add.f32 [tilespmem:s14], [sflag:$0x3], $0x80, s5, s17, $0xb8;
	[tilespmem:$0x1D000] =	vst v63  }
0xb6: {  	_ =	swait.ge [sflag:s15], $0x4000  }
0xb7: {  	[sflag:s15] =	ssyncset.done $0x0  }
0xb8: {  	[sflag:s15] =	ssyncadd.s32 $0xFFFFC000  }
0xb9: {  	p1 =	slt.u32 @!p0 s0, $0x8;
	_ =	swait.ge [sflag:s21], $0x4000  }
0xba: {  	p1 =	por p0, !p1;
	[sflag:s21] =	ssyncset.done $0x0  }
.Ltmp1:
0xbb: {  	[sflag:s21] =	ssyncadd.s32 $0xFFFFC000;
	(pc) =	sbr.rel @!p1 .LBB2_4-.Ltmp1, $4  }
0xbc: {  	[spmem:s2] =	stream.indirect.scatter.add.f32 [tilespmem:s18], [sflag:$0x3], $0x80, s20, s17, $0xb8;
	[tilespmem:$0x1D000] =	vst v63  }
0xbd: {  	_ =	swait.ge [sflag:s15], $0x4000  }
0xbe: {  	s0 =	sadd.s32 $0x1, s0;
	[sflag:s15] =	ssyncset.done $0x0  }
0xbf: {  	s30 =	sadd.s32 $0x100, s30;
	s31 =	sadd.s32 $0x100, s31;
	[sflag:s15] =	ssyncadd.s32 $0xFFFFC000  }
0xc0: {  	s0 =	stileid.u32;
	[bflag:$0x0] =	sbarrier.arrive $0xFFFF  }
0xc1: {  	s0 =	sshll.u32 s0, $0x6;
	s9 =	rddreg [dreg:$0x4]  }
0xc2: {  	s31 =	rddreg [dreg:$0x9];
	s0 =	sor.u32 $0x1C03, s0;
	s30 =	sshrl.u32 s9, $0x3  }
0xc3: {  	[hbm:s31], [sflag:s0] =	dma.local [spmem:s30], $0x2800  }
0xc4: {  	_ =	swait.ge [sflag:s15], $0x2800  }
0xc5: {  	s1 =	rddreg [dreg:$0xd]  }
0xc6: {  	s31 =	rddreg [dreg:$0xa];
	s1 =	sadd.s32 $0x1, s1  }
0xc7: {  	p1 =	sne.s32 s1, s31  }
.Ltmp2:
0xc8: {  	_ = 	snop;
	(pc) =	sbr.rel @p1 .LBB2_1-.Ltmp2, $3  }
0xc9: {  	_ =	sdelay $0x1  }
0xca: {  	[sflag:s15] =	ssyncset.done $0x0  }
0xcb: {  	[sflag:s15] =	ssyncadd.s32 $0xFFFFD800  }
0xcc: {  	_ =	sfence.sel $0x180000  }
0xcd: {  	[bflag:$0x0] =	sbarrier.arrive $0xFFFF  }
0xce: {  	_ =	strace $0x9000004A  }
0xcf: {  	s0 =	stileid.u32;
	[bflag:$0x2] =	sbarrier.arrive $0xFFFF  }
0xd0: {  	p0 =	sne.s32 s0, $0x0;
	s0 =	rddreg [dreg:$0x3]  }
0xd1: {  	s0 =	sadd.s32 @!p0 $0x100000, s0  }
0xd2: {  	[sflag:s0] =	ssyncadd.tile.s32 @!p0 $0x1;
	_ =	shalt  }
.Lfunc_end2:
_tile_overlayer_lowered:
.L_overlay_start_2:
0xd3: {  	(tag) =	ssettag $0x2  }
0xd4: {  	s0 =	rddreg [dreg:$0x0];
	s2 =	stileid.u32  }
0xd5: {  	s1 =	rddreg [dreg:$0x1];
	p0 =	sne.s32 s2, $0x0  }
0xd6: {  	s3 =	rddreg [dreg:$0x2];
	[bflag:$0x3] =	sbarrier.arrive $0xFFFF;
	s2 =	simm.s32 @!p0 $0x1C03  }
0xd7: {  	[timem:s3], [sflag:s2] =	dma.local @!p0 [hbm:s0], s1  }
0xd8: {  	s0 =	simm.s32 @!p0 $0x3  }
0xd9: {  	_ =	swait.ge @!p0 [sflag:s0], s1  }
0xda: {  	s1 =	ssub.s32 @!p0 $0x0, s1;
	[sflag:s0] =	ssyncset.done @!p0 $0x0  }
0xdb: {  	[sflag:s0] =	ssyncadd.s32 @!p0 s1  }
0xdc: {  	[bflag:$0x3] =	sbarrier.arrive $0xFFFF  }
0xdd: {  	_ =	shalt  }

</sc_bundles>
